<compile_context>
chip_gen: v7x
topology: tpu7x:2x2x1
jax: 0.10.2.dev20260603
libtpu: 0.0.44.dev20260713+nightly
codegen_flags: <defaults>
</compile_context>

<pallas_src>
import functools
import math

import jax
import jax.numpy as jnp
from jax import lax
from jax.experimental import pallas as pl
from jax.experimental.pallas import tpu as pltpu
from jax.experimental.pallas import tpu_sc as plsc

_T = 4096
_D = 1024
_E = 8
_CAPF = 1.25
_MINCAP = 4


def _capacity(num_tokens, num_experts):
    cap = math.floor(_CAPF * num_tokens / num_experts)
    cap += cap % 2
    return max(cap, _MINCAP)


def _router_body(x_ref, w_ref, gv_ref, dest_ref, y_ref, cap):
    x = x_ref[...]
    w = w_ref[...]
    logits = lax.dot_general(x, w, (((1,), (1,)), ((), ())),
                             preferred_element_type=jnp.float32)
    m = jnp.max(logits, axis=1, keepdims=True)
    expl = jnp.exp(logits - m)
    gvc = 1.0 / jnp.sum(expl, axis=1, keepdims=True)
    top1 = jnp.argmax(logits, axis=1).astype(jnp.int32)
    onehot = (lax.broadcasted_iota(jnp.int32, logits.shape, 1)
              == top1[:, None])
    counts = onehot.astype(jnp.int32)
    off = 1
    while off < counts.shape[0]:
        shifted = jnp.concatenate(
            [jnp.zeros((off, counts.shape[1]), counts.dtype), counts[:-off]],
            axis=0)
        counts = counts + shifted
        off *= 2
    rank = jnp.sum(jnp.where(onehot, counts - 1, 0), axis=1)
    kept = rank < cap
    dest = jnp.where(kept, top1 * cap + rank, -1)
    gv_ref[...] = jnp.sum(gvc, axis=1)
    dest_ref[...] = dest
    y_ref[pl.ds(0, _T), :] = x * gvc
    y_ref[pl.ds(_T, 8), :] = jnp.zeros((8, _D), jnp.float32)


def _slotmap_body(dest_ref, gidx_ref, nslot):
    def init(s, _):
        gidx_ref[s] = _T
        return 0

    lax.fori_loop(0, nslot, init, 0)

    def fill(t, _):
        d = dest_ref[t]

        @pl.when(d >= 0)
        def _():
            gidx_ref[d] = t

        return 0

    lax.fori_loop(0, _T, fill, 0)


def _sc_dispatch_body(gidx_hbm, y_hbm, out_hbm,
                      idx_v, rows_a, rows_b, sem_a, sem_b,
                      rows_per_w, chunk):
    nc = 2
    wid = lax.axis_index("s") * nc + lax.axis_index("c")
    base = wid * rows_per_w
    pltpu.sync_copy(gidx_hbm.at[pl.ds(base, rows_per_w)], idx_v)
    bufs = (rows_a, rows_b)
    sems = (sem_a, sem_b)
    nparts = rows_per_w // chunk
    cps = [None, None]
    for p in range(nparts):
        cps[p % 2] = pltpu.async_copy(
            y_hbm.at[idx_v.at[pl.ds(p * chunk, chunk)]],
            bufs[p % 2], sems[p % 2])
        if p >= 1:
            q = (p - 1) % 2
            cps[q].wait()
            pltpu.sync_copy(
                bufs[q], out_hbm.at[pl.ds(base + (p - 1) * chunk, chunk)])
    q = (nparts - 1) % 2
    cps[q].wait()
    pltpu.sync_copy(
        bufs[q], out_hbm.at[pl.ds(base + (nparts - 1) * chunk, chunk)])


def _combine_body(code_ref, gv_ref, comb_ref, sec_ref, tb, cap):
    i = pl.program_id(0)
    pos_e = lax.broadcasted_iota(jnp.int32, (_E, cap), 0)
    pos_c = lax.broadcasted_iota(jnp.int32, (_E, cap), 1)
    pos = pos_e * cap + pos_c

    def body(t, _):
        code_t = code_ref[i * tb + t]
        gv_t = gv_ref[i * tb + t]
        hit = pos == code_t
        comb_ref[pl.ds(t, 1)] = jnp.where(hit, gv_t, 0.0)[None]
        sec_ref[pl.ds(t, 1)] = hit[None]
        return 0

    lax.fori_loop(0, tb, body, 0)


def kernel(x, gate_weight):
    cap = _capacity(_T, _E)
    ec = _E * cap

    router = pl.pallas_call(
        functools.partial(_router_body, cap=cap),
        out_shape=(
            jax.ShapeDtypeStruct((_T,), jnp.float32),
            jax.ShapeDtypeStruct((_T,), jnp.int32),
            jax.ShapeDtypeStruct((_T + 8, _D), jnp.float32),
        ),
    )
    gv, dest, y = router(x, gate_weight)

    slotmap = pl.pallas_call(
        functools.partial(_slotmap_body, nslot=ec),
        in_specs=[pl.BlockSpec(memory_space=pltpu.SMEM)],
        out_specs=pl.BlockSpec(memory_space=pltpu.SMEM),
        out_shape=jax.ShapeDtypeStruct((ec,), jnp.int32),
    )
    gidx = slotmap(dest)

    nw = 32
    rows_per_w = ec // nw
    chunk = 40
    mesh = plsc.VectorSubcoreMesh(core_axis_name="c", subcore_axis_name="s")
    sc_dispatch = functools.partial(
        pl.kernel,
        mesh=mesh,
        out_type=jax.ShapeDtypeStruct((ec, _D), jnp.float32),
        scratch_types=[
            pltpu.VMEM((rows_per_w,), jnp.int32),
            pltpu.VMEM((chunk, _D), jnp.float32),
            pltpu.VMEM((chunk, _D), jnp.float32),
            pltpu.SemaphoreType.DMA,
            pltpu.SemaphoreType.DMA,
        ],
    )(functools.partial(_sc_dispatch_body,
                        rows_per_w=rows_per_w, chunk=chunk))
    dispatched = sc_dispatch(gidx, y).reshape(_E, cap, _D)

    tb = 256
    nblk = _T // tb
    smem_spec = pl.BlockSpec(memory_space=pltpu.SMEM)
    combine = pl.pallas_call(
        functools.partial(_combine_body, tb=tb, cap=cap),
        grid=(nblk,),
        in_specs=[smem_spec, smem_spec],
        out_specs=(
            pl.BlockSpec((tb, _E, cap), lambda i: (i, 0, 0)),
            pl.BlockSpec((tb, _E, cap), lambda i: (i, 0, 0)),
        ),
        out_shape=(
            jax.ShapeDtypeStruct((_T, _E, cap), jnp.float32),
            jax.ShapeDtypeStruct((_T, _E, cap), jnp.bool_),
        ),
    )
    comb, sec = combine(dest, gv)
    return dispatched, comb, sec

# --- scband reference (transcript-rebuilt; emitter-appended) ---
"""Pipeline reference for scband-expert-parallel-front-block-71571335020919 (READ-ONLY COPY).

The authoritative reference and input builder live on the scoring server;
editing this copy changes nothing except your own understanding.
"""

import jax, jax.numpy as jnp
import numpy as np
import math

T = 4096
D_MODEL = 1024
NUM_EXPERTS = 8
CAP_FACTOR_TRAIN = 1.25
MIN_CAPACITY = 4


def _get_capacity(num_tokens, num_experts):
    cap = math.floor(CAP_FACTOR_TRAIN * num_tokens / num_experts)
    cap += cap % 2
    cap = max(cap, MIN_CAPACITY)
    return cap


def setup_inputs(seed: int = 0) -> dict:
    key = jax.random.key(seed)
    k1, k2 = jax.random.split(key)
    x = jax.random.normal(k1, (T, D_MODEL), dtype=jnp.float32)
    # FP32LinearGate weight, trunc-normal-ish init with std sqrt(scale/d_model), scale=0.1
    gate_weight = jax.random.normal(k2, (NUM_EXPERTS, D_MODEL), dtype=jnp.float32) * math.sqrt(0.1 / D_MODEL)
    return {"x": x, "gate_weight": gate_weight}


def reference(x, gate_weight):
    # FP32 gate: logits = x @ W^T in float32
    logits_raw = jnp.dot(x.astype(jnp.float32), gate_weight.astype(jnp.float32).T)
    logits = jax.nn.softmax(logits_raw, axis=-1)  # auto_cast_softmax (fp32)
    num_tokens, num_experts = logits.shape
    capacity = _get_capacity(num_tokens, num_experts)

    # Top1 routing, select_policy='first'
    top1_idx = jnp.argmax(logits_raw, axis=-1)
    mask = jax.nn.one_hot(top1_idx, num_experts, dtype=jnp.int32)
    # cum_sum_d0_minus_one
    ranks = jnp.cumsum(mask, axis=0) - 1
    mask = mask * (ranks < capacity).astype(jnp.int32)
    ranks_tok = jnp.sum(mask * ranks, axis=-1)  # per-token slot within its expert

    # combine weights: [T, E, capacity]
    ranks_oh = jax.nn.one_hot(ranks_tok, capacity, dtype=logits.dtype)
    weight = mask.astype(logits.dtype) * logits
    combine_weights = weight[:, :, None] * ranks_oh[:, None, :]
    sec_mask = combine_weights > 0

    # Dispatch (front block): scatter tokens into [E*capacity, d_model] expert buffers.
    # Equivalent to einsum('tec,td->ecd', combine_weights, x) since ranks_oh is one-hot.
    gate_val = jnp.sum(weight, axis=-1)  # zero for dropped tokens
    dest_idx = top1_idx * capacity + ranks_tok
    dispatched = jnp.zeros((num_experts * capacity, x.shape[-1]), dtype=jnp.float32)
    dispatched = dispatched.at[dest_idx].add(gate_val[:, None] * x.astype(jnp.float32))
    dispatched = dispatched.reshape(num_experts, capacity, x.shape[-1])
    return dispatched, combine_weights, sec_mask

if __name__ == "__main__":
    import jax
    _d = setup_inputs()
    print(jax.jit(kernel)(*tuple(_d.values())))

</pallas_src>

<mosaic_0001>
#map = affine_map<(d0, d1) -> (0)>
#map1 = affine_map<(d0, d1) -> (0, 0)>
module attributes {stable_mosaic.version = 14 : i64} {
  func.func @_sc_dispatch_body(%arg0: i32, %arg1: i32, %arg2: memref<5120xi32, #tpu.memory_space<hbm>>, %arg3: memref<4104x1024xf32, #tpu.memory_space<hbm>>, %arg4: memref<5120x1024xf32, #tpu.memory_space<hbm>>, %arg5: memref<160xi32, #tpu.memory_space<vmem>>, %arg6: memref<40x1024xf32, #tpu.memory_space<vmem>>, %arg7: memref<40x1024xf32, #tpu.memory_space<vmem>>, %arg8: memref<!tpu.dma_semaphore, #tpu.memory_space<semaphore_mem>>, %arg9: memref<!tpu.dma_semaphore, #tpu.memory_space<semaphore_mem>>) attributes {dimension_semantics = [#tpu.dimension_semantics<core_parallel>, #tpu.dimension_semantics<subcore_parallel>], iteration_bounds = array<i64: 2, 16>, scalar_prefetch = 0 : i64, scratch_operands = 5 : i64, tpu.core_type = #tpu.core_type<sc_vector_subcore>, window_params = [{transform_indices = #map}, {transform_indices = #map1}, {transform_indices = #map1}]} {
    %mul3A = arith.constant 2 : i32
    %mul3A_0 = arith.muli %arg1, %mul3A : i32
    %add3A = arith.addi %mul3A_0, %arg0 : i32
    %mul3A_1 = arith.constant 160 : i32
    %mul3A_2 = arith.muli %add3A, %mul3A_1 : i32
    "tpu.region"() ({
      %run_scoped3A = tpu.sem_alloc : memref<!tpu.dma_semaphore, #tpu.memory_space<semaphore_mem>>
      %dma_start3A_49 = tpu.memref_slice %arg2[%mul3A_2] : memref<5120xi32, #tpu.memory_space<hbm>> -> memref<160xi32, #tpu.memory_space<hbm>>
      %dma_start3A_50 = tpu.memref_slice %arg2[%mul3A_2] : memref<5120xi32, #tpu.memory_space<hbm>> -> memref<160xi32, #tpu.memory_space<hbm>>
      tpu.enqueue_dma source(%dma_start3A_50 : memref<160xi32, #tpu.memory_space<hbm>>) target(%arg5 : memref<160xi32, #tpu.memory_space<vmem>>) target_semaphore(%run_scoped3A : memref<!tpu.dma_semaphore, #tpu.memory_space<semaphore_mem>>)
      %dma_wait3A_51 = tpu.memref_slice %arg2[%mul3A_2] : memref<5120xi32, #tpu.memory_space<hbm>> -> memref<160xi32, #tpu.memory_space<hbm>>
      %dma_wait3A_52 = tpu.memref_slice %arg2[%mul3A_2] : memref<5120xi32, #tpu.memory_space<hbm>> -> memref<160xi32, #tpu.memory_space<hbm>>
      tpu.wait_dma2 semaphore(%run_scoped3A : memref<!tpu.dma_semaphore, #tpu.memory_space<semaphore_mem>>) src(%dma_wait3A_52 : memref<160xi32, #tpu.memory_space<hbm>>) dst(%arg5 : memref<160xi32, #tpu.memory_space<vmem>>)
      tpu.yield
    }) : () -> ()
    %dma_start3A = arith.constant 0 : i32
    %dma_start3A_3 = tpu.memref_slice %arg5[%dma_start3A] : memref<160xi32, #tpu.memory_space<vmem>> -> memref<40xi32, #tpu.memory_space<vmem>>
    %dma_start3A_4 = arith.constant 0 : i32
    %dma_start3A_5 = arith.constant 0 : i32
    %dma_start3A_6 = tpu.memref_slice %arg3[%dma_start3A_4, %dma_start3A_5] : memref<4104x1024xf32, #tpu.memory_space<hbm>> -> memref<4104x1024xf32, #tpu.memory_space<hbm>>
    tpu.enqueue_indirect_dma source(%dma_start3A_6 : memref<4104x1024xf32, #tpu.memory_space<hbm>>) target(%arg6 : memref<40x1024xf32, #tpu.memory_space<vmem>>) offsets(%dma_start3A_3 : memref<40xi32, #tpu.memory_space<vmem>>) semaphore(%arg8 : memref<!tpu.dma_semaphore, #tpu.memory_space<semaphore_mem>>)
    %dma_start3A_7 = arith.constant 40 : i32
    %dma_start3A_8 = tpu.memref_slice %arg5[%dma_start3A_7] : memref<160xi32, #tpu.memory_space<vmem>> -> memref<40xi32, #tpu.memory_space<vmem>>
    %dma_start3A_9 = arith.constant 0 : i32
    %dma_start3A_10 = arith.constant 0 : i32
    %dma_start3A_11 = tpu.memref_slice %arg3[%dma_start3A_9, %dma_start3A_10] : memref<4104x1024xf32, #tpu.memory_space<hbm>> -> memref<4104x1024xf32, #tpu.memory_space<hbm>>
    tpu.enqueue_indirect_dma source(%dma_start3A_11 : memref<4104x1024xf32, #tpu.memory_space<hbm>>) target(%arg7 : memref<40x1024xf32, #tpu.memory_space<vmem>>) offsets(%dma_start3A_8 : memref<40xi32, #tpu.memory_space<vmem>>) semaphore(%arg9 : memref<!tpu.dma_semaphore, #tpu.memory_space<semaphore_mem>>)
    %dma_wait3A = arith.constant 0 : i32
    %dma_wait3A_12 = tpu.memref_slice %arg5[%dma_wait3A] : memref<160xi32, #tpu.memory_space<vmem>> -> memref<40xi32, #tpu.memory_space<vmem>>
    %dma_wait3A_13 = arith.constant 0 : i32
    %dma_wait3A_14 = arith.constant 0 : i32
    %dma_wait3A_15 = tpu.memref_slice %arg3[%dma_wait3A_13, %dma_wait3A_14] : memref<4104x1024xf32, #tpu.memory_space<hbm>> -> memref<4104x1024xf32, #tpu.memory_space<hbm>>
    tpu.wait_indirect_dma semaphore(%arg8 : memref<!tpu.dma_semaphore, #tpu.memory_space<semaphore_mem>>) src(%dma_wait3A_15 : memref<4104x1024xf32, #tpu.memory_space<hbm>>) dst(%arg6 : memref<40x1024xf32, #tpu.memory_space<vmem>>)
    %add3A_16 = arith.constant 0 : i32
    %add3A_17 = arith.addi %mul3A_2, %add3A_16 : i32
    "tpu.region"() ({
      %run_scoped3A = tpu.sem_alloc : memref<!tpu.dma_semaphore, #tpu.memory_space<semaphore_mem>>
      %dma_start3A_49 = arith.constant 0 : i32
      %dma_start3A_50 = tpu.memref_slice %arg4[%add3A_17, %dma_start3A_49] : memref<5120x1024xf32, #tpu.memory_space<hbm>> -> memref<40x1024xf32, #tpu.memory_space<hbm>>
      %dma_start3A_51 = arith.constant 0 : i32
      %dma_start3A_52 = tpu.memref_slice %arg4[%add3A_17, %dma_start3A_51] : memref<5120x1024xf32, #tpu.memory_space<hbm>> -> memref<40x1024xf32, #tpu.memory_space<hbm>>
      tpu.enqueue_dma source(%arg6 : memref<40x1024xf32, #tpu.memory_space<vmem>>) target(%dma_start3A_52 : memref<40x1024xf32, #tpu.memory_space<hbm>>) target_semaphore(%run_scoped3A : memref<!tpu.dma_semaphore, #tpu.memory_space<semaphore_mem>>)
      %dma_wait3A_53 = arith.constant 0 : i32
      %dma_wait3A_54 = tpu.memref_slice %arg4[%add3A_17, %dma_wait3A_53] : memref<5120x1024xf32, #tpu.memory_space<hbm>> -> memref<40x1024xf32, #tpu.memory_space<hbm>>
      %dma_wait3A_55 = arith.constant 0 : i32
      %dma_wait3A_56 = tpu.memref_slice %arg4[%add3A_17, %dma_wait3A_55] : memref<5120x1024xf32, #tpu.memory_space<hbm>> -> memref<40x1024xf32, #tpu.memory_space<hbm>>
      tpu.wait_dma2 semaphore(%run_scoped3A : memref<!tpu.dma_semaphore, #tpu.memory_space<semaphore_mem>>) src(%arg6 : memref<40x1024xf32, #tpu.memory_space<vmem>>) dst(%dma_wait3A_56 : memref<40x1024xf32, #tpu.memory_space<hbm>>)
      tpu.yield
    }) : () -> ()
    %dma_start3A_18 = arith.constant 80 : i32
    %dma_start3A_19 = tpu.memref_slice %arg5[%dma_start3A_18] : memref<160xi32, #tpu.memory_space<vmem>> -> memref<40xi32, #tpu.memory_space<vmem>>
    %dma_start3A_20 = arith.constant 0 : i32
    %dma_start3A_21 = arith.constant 0 : i32
    %dma_start3A_22 = tpu.memref_slice %arg3[%dma_start3A_20, %dma_start3A_21] : memref<4104x1024xf32, #tpu.memory_space<hbm>> -> memref<4104x1024xf32, #tpu.memory_space<hbm>>
    tpu.enqueue_indirect_dma source(%dma_start3A_22 : memref<4104x1024xf32, #tpu.memory_space<hbm>>) target(%arg6 : memref<40x1024xf32, #tpu.memory_space<vmem>>) offsets(%dma_start3A_19 : memref<40xi32, #tpu.memory_space<vmem>>) semaphore(%arg8 : memref<!tpu.dma_semaphore, #tpu.memory_space<semaphore_mem>>)
    %dma_wait3A_23 = arith.constant 40 : i32
    %dma_wait3A_24 = tpu.memref_slice %arg5[%dma_wait3A_23] : memref<160xi32, #tpu.memory_space<vmem>> -> memref<40xi32, #tpu.memory_space<vmem>>
    %dma_wait3A_25 = arith.constant 0 : i32
    %dma_wait3A_26 = arith.constant 0 : i32
    %dma_wait3A_27 = tpu.memref_slice %arg3[%dma_wait3A_25, %dma_wait3A_26] : memref<4104x1024xf32, #tpu.memory_space<hbm>> -> memref<4104x1024xf32, #tpu.memory_space<hbm>>
    tpu.wait_indirect_dma semaphore(%arg9 : memref<!tpu.dma_semaphore, #tpu.memory_space<semaphore_mem>>) src(%dma_wait3A_27 : memref<4104x1024xf32, #tpu.memory_space<hbm>>) dst(%arg7 : memref<40x1024xf32, #tpu.memory_space<vmem>>)
    %add3A_28 = arith.constant 40 : i32
    %add3A_29 = arith.addi %mul3A_2, %add3A_28 : i32
    "tpu.region"() ({
      %run_scoped3A = tpu.sem_alloc : memref<!tpu.dma_semaphore, #tpu.memory_space<semaphore_mem>>
      %dma_start3A_49 = arith.constant 0 : i32
      %dma_start3A_50 = tpu.memref_slice %arg4[%add3A_29, %dma_start3A_49] : memref<5120x1024xf32, #tpu.memory_space<hbm>> -> memref<40x1024xf32, #tpu.memory_space<hbm>>
      %dma_start3A_51 = arith.constant 0 : i32
      %dma_start3A_52 = tpu.memref_slice %arg4[%add3A_29, %dma_start3A_51] : memref<5120x1024xf32, #tpu.memory_space<hbm>> -> memref<40x1024xf32, #tpu.memory_space<hbm>>
      tpu.enqueue_dma source(%arg7 : memref<40x1024xf32, #tpu.memory_space<vmem>>) target(%dma_start3A_52 : memref<40x1024xf32, #tpu.memory_space<hbm>>) target_semaphore(%run_scoped3A : memref<!tpu.dma_semaphore, #tpu.memory_space<semaphore_mem>>)
      %dma_wait3A_53 = arith.constant 0 : i32
      %dma_wait3A_54 = tpu.memref_slice %arg4[%add3A_29, %dma_wait3A_53] : memref<5120x1024xf32, #tpu.memory_space<hbm>> -> memref<40x1024xf32, #tpu.memory_space<hbm>>
      %dma_wait3A_55 = arith.constant 0 : i32
      %dma_wait3A_56 = tpu.memref_slice %arg4[%add3A_29, %dma_wait3A_55] : memref<5120x1024xf32, #tpu.memory_space<hbm>> -> memref<40x1024xf32, #tpu.memory_space<hbm>>
      tpu.wait_dma2 semaphore(%run_scoped3A : memref<!tpu.dma_semaphore, #tpu.memory_space<semaphore_mem>>) src(%arg7 : memref<40x1024xf32, #tpu.memory_space<vmem>>) dst(%dma_wait3A_56 : memref<40x1024xf32, #tpu.memory_space<hbm>>)
      tpu.yield
    }) : () -> ()
    %dma_start3A_30 = arith.constant 120 : i32
    %dma_start3A_31 = tpu.memref_slice %arg5[%dma_start3A_30] : memref<160xi32, #tpu.memory_space<vmem>> -> memref<40xi32, #tpu.memory_space<vmem>>
    %dma_start3A_32 = arith.constant 0 : i32
    %dma_start3A_33 = arith.constant 0 : i32
    %dma_start3A_34 = tpu.memref_slice %arg3[%dma_start3A_32, %dma_start3A_33] : memref<4104x1024xf32, #tpu.memory_space<hbm>> -> memref<4104x1024xf32, #tpu.memory_space<hbm>>
    tpu.enqueue_indirect_dma source(%dma_start3A_34 : memref<4104x1024xf32, #tpu.memory_space<hbm>>) target(%arg7 : memref<40x1024xf32, #tpu.memory_space<vmem>>) offsets(%dma_start3A_31 : memref<40xi32, #tpu.memory_space<vmem>>) semaphore(%arg9 : memref<!tpu.dma_semaphore, #tpu.memory_space<semaphore_mem>>)
    %dma_wait3A_35 = arith.constant 80 : i32
    %dma_wait3A_36 = tpu.memref_slice %arg5[%dma_wait3A_35] : memref<160xi32, #tpu.memory_space<vmem>> -> memref<40xi32, #tpu.memory_space<vmem>>
    %dma_wait3A_37 = arith.constant 0 : i32
    %dma_wait3A_38 = arith.constant 0 : i32
    %dma_wait3A_39 = tpu.memref_slice %arg3[%dma_wait3A_37, %dma_wait3A_38] : memref<4104x1024xf32, #tpu.memory_space<hbm>> -> memref<4104x1024xf32, #tpu.memory_space<hbm>>
    tpu.wait_indirect_dma semaphore(%arg8 : memref<!tpu.dma_semaphore, #tpu.memory_space<semaphore_mem>>) src(%dma_wait3A_39 : memref<4104x1024xf32, #tpu.memory_space<hbm>>) dst(%arg6 : memref<40x1024xf32, #tpu.memory_space<vmem>>)
    %add3A_40 = arith.constant 80 : i32
    %add3A_41 = arith.addi %mul3A_2, %add3A_40 : i32
    "tpu.region"() ({
      %run_scoped3A = tpu.sem_alloc : memref<!tpu.dma_semaphore, #tpu.memory_space<semaphore_mem>>
      %dma_start3A_49 = arith.constant 0 : i32
      %dma_start3A_50 = tpu.memref_slice %arg4[%add3A_41, %dma_start3A_49] : memref<5120x1024xf32, #tpu.memory_space<hbm>> -> memref<40x1024xf32, #tpu.memory_space<hbm>>
      %dma_start3A_51 = arith.constant 0 : i32
      %dma_start3A_52 = tpu.memref_slice %arg4[%add3A_41, %dma_start3A_51] : memref<5120x1024xf32, #tpu.memory_space<hbm>> -> memref<40x1024xf32, #tpu.memory_space<hbm>>
      tpu.enqueue_dma source(%arg6 : memref<40x1024xf32, #tpu.memory_space<vmem>>) target(%dma_start3A_52 : memref<40x1024xf32, #tpu.memory_space<hbm>>) target_semaphore(%run_scoped3A : memref<!tpu.dma_semaphore, #tpu.memory_space<semaphore_mem>>)
      %dma_wait3A_53 = arith.constant 0 : i32
      %dma_wait3A_54 = tpu.memref_slice %arg4[%add3A_41, %dma_wait3A_53] : memref<5120x1024xf32, #tpu.memory_space<hbm>> -> memref<40x1024xf32, #tpu.memory_space<hbm>>
      %dma_wait3A_55 = arith.constant 0 : i32
      %dma_wait3A_56 = tpu.memref_slice %arg4[%add3A_41, %dma_wait3A_55] : memref<5120x1024xf32, #tpu.memory_space<hbm>> -> memref<40x1024xf32, #tpu.memory_space<hbm>>
      tpu.wait_dma2 semaphore(%run_scoped3A : memref<!tpu.dma_semaphore, #tpu.memory_space<semaphore_mem>>) src(%arg6 : memref<40x1024xf32, #tpu.memory_space<vmem>>) dst(%dma_wait3A_56 : memref<40x1024xf32, #tpu.memory_space<hbm>>)
      tpu.yield
    }) : () -> ()
    %dma_wait3A_42 = arith.constant 120 : i32
    %dma_wait3A_43 = tpu.memref_slice %arg5[%dma_wait3A_42] : memref<160xi32, #tpu.memory_space<vmem>> -> memref<40xi32, #tpu.memory_space<vmem>>
    %dma_wait3A_44 = arith.constant 0 : i32
    %dma_wait3A_45 = arith.constant 0 : i32
    %dma_wait3A_46 = tpu.memref_slice %arg3[%dma_wait3A_44, %dma_wait3A_45] : memref<4104x1024xf32, #tpu.memory_space<hbm>> -> memref<4104x1024xf32, #tpu.memory_space<hbm>>
    tpu.wait_indirect_dma semaphore(%arg9 : memref<!tpu.dma_semaphore, #tpu.memory_space<semaphore_mem>>) src(%dma_wait3A_46 : memref<4104x1024xf32, #tpu.memory_space<hbm>>) dst(%arg7 : memref<40x1024xf32, #tpu.memory_space<vmem>>)
    %add3A_47 = arith.constant 120 : i32
    %add3A_48 = arith.addi %mul3A_2, %add3A_47 : i32
    "tpu.region"() ({
      %run_scoped3A = tpu.sem_alloc : memref<!tpu.dma_semaphore, #tpu.memory_space<semaphore_mem>>
      %dma_start3A_49 = arith.constant 0 : i32
      %dma_start3A_50 = tpu.memref_slice %arg4[%add3A_48, %dma_start3A_49] : memref<5120x1024xf32, #tpu.memory_space<hbm>> -> memref<40x1024xf32, #tpu.memory_space<hbm>>
      %dma_start3A_51 = arith.constant 0 : i32
      %dma_start3A_52 = tpu.memref_slice %arg4[%add3A_48, %dma_start3A_51] : memref<5120x1024xf32, #tpu.memory_space<hbm>> -> memref<40x1024xf32, #tpu.memory_space<hbm>>
      tpu.enqueue_dma source(%arg7 : memref<40x1024xf32, #tpu.memory_space<vmem>>) target(%dma_start3A_52 : memref<40x1024xf32, #tpu.memory_space<hbm>>) target_semaphore(%run_scoped3A : memref<!tpu.dma_semaphore, #tpu.memory_space<semaphore_mem>>)
      %dma_wait3A_53 = arith.constant 0 : i32
      %dma_wait3A_54 = tpu.memref_slice %arg4[%add3A_48, %dma_wait3A_53] : memref<5120x1024xf32, #tpu.memory_space<hbm>> -> memref<40x1024xf32, #tpu.memory_space<hbm>>
      %dma_wait3A_55 = arith.constant 0 : i32
      %dma_wait3A_56 = tpu.memref_slice %arg4[%add3A_48, %dma_wait3A_55] : memref<5120x1024xf32, #tpu.memory_space<hbm>> -> memref<40x1024xf32, #tpu.memory_space<hbm>>
      tpu.wait_dma2 semaphore(%run_scoped3A : memref<!tpu.dma_semaphore, #tpu.memory_space<semaphore_mem>>) src(%arg7 : memref<40x1024xf32, #tpu.memory_space<vmem>>) dst(%dma_wait3A_56 : memref<40x1024xf32, #tpu.memory_space<hbm>>)
      tpu.yield
    }) : () -> ()
    return
  }
}

module attributes {stable_mosaic.version = 14 : i64} {
  func.func @_combine_body(%arg0: i32, %arg1: memref<4096xi32, #tpu.memory_space<smem>>, %arg2: memref<4096xf32, #tpu.memory_space<smem>>, %arg3: memref<256x8x640xf32, #tpu.memory_space<vmem>>, %arg4: memref<256x8x640xi32, #tpu.memory_space<vmem>>) attributes {dimension_semantics = [#tpu.dimension_semantics<arbitrary>], iteration_bounds = array<i64: 16>, scalar_prefetch = 0 : i64, scratch_operands = 0 : i64, tpu.core_type = #tpu.core_type<tc>, window_params = [{transform_indices = @transform_0, window_bounds = array<i64: 4096>}, {transform_indices = @transform_1, window_bounds = array<i64: 4096>}, {transform_indices = @transform_2, window_bounds = array<i64: 256, 8, 640>}, {transform_indices = @transform_3, window_bounds = array<i64: 256, 8, 640>}]} {
    %iota3A = tpu.iota {dimensions = array<i32: 0>} : vector<8x640xi32>
    %iota3A_0 = tpu.iota {dimensions = array<i32: 1>} : vector<8x640xi32>
    %mul3A = arith.constant 640 : i32
    %mul3A_1 = vector.broadcast %mul3A : i32 to vector<8x640xi32>
    %mul3A_2 = arith.muli %iota3A, %mul3A_1 : vector<8x640xi32>
    %add3A = arith.addi %mul3A_2, %iota3A_0 : vector<8x640xi32>
    %scan3A = arith.constant 0 : i32
    %scan3A_3 = arith.constant 256 : i32
    %scan3A_4 = arith.addi %scan3A, %scan3A_3 : i32
    %scan3A_5 = arith.constant 1 : i32
    scf.for %scan3A_7 = %scan3A to %scan3A_4 step %scan3A_5  : i32 {
      %mul3A_8 = arith.constant 256 : i32
      %mul3A_9 = arith.muli %arg0, %mul3A_8 : i32
      %add3A_10 = arith.addi %mul3A_9, %scan3A_7 : i32
      %get3A = arith.index_cast %add3A_10 : i32 to index
      %get3A_11 = memref.load %arg1[%get3A] : memref<4096xi32, #tpu.memory_space<smem>>
      %mul3A_12 = arith.constant 256 : i32
      %mul3A_13 = arith.muli %arg0, %mul3A_12 : i32
      %add3A_14 = arith.addi %mul3A_13, %scan3A_7 : i32
      %get3A_15 = arith.index_cast %add3A_14 : i32 to index
      %get3A_16 = memref.load %arg2[%get3A_15] : memref<4096xf32, #tpu.memory_space<smem>>
      %eq3A = vector.broadcast %get3A_11 : i32 to vector<8x640xi32>
      %eq3A_17 = arith.cmpi eq, %add3A, %eq3A : vector<8x640xi32>
      %jit3A = arith.constant 0.000000e+00 : f32
      %broadcast_in_dim3A = vector.broadcast %get3A_16 : f32 to vector<8x640xf32>
      %broadcast_in_dim3A_18 = vector.broadcast %jit3A : f32 to vector<8x640xf32>
      %select_n3A = arith.select %eq3A_17, %broadcast_in_dim3A, %broadcast_in_dim3A_18 : vector<8x640xi1>, vector<8x640xf32>
      %broadcast_in_dim3A_19 = vector.shape_cast %select_n3A : vector<8x640xf32> to vector<1x8x640xf32>
      %swap3A = arith.index_cast %scan3A_7 : i32 to index
      %swap3A_20 = arith.constant 0 : index
      %swap3A_21 = arith.constant 0 : index
      %swap3A_22 = vector.load %arg3[%swap3A, %swap3A_20, %swap3A_21] : memref<256x8x640xf32, #tpu.memory_space<vmem>>, vector<1x8x640xf32>
      tpu.vector_store %arg3[%swap3A, %swap3A_20, %swap3A_21], %broadcast_in_dim3A_19 {strides = array<i32>} : memref<256x8x640xf32, #tpu.memory_space<vmem>>, vector<1x8x640xf32>,
      %broadcast_in_dim3A_23 = vector.shape_cast %eq3A_17 : vector<8x640xi1> to vector<1x8x640xi1>
      %swap3A_24 = arith.index_cast %scan3A_7 : i32 to index
      %swap3A_25 = arith.constant 0 : index
      %swap3A_26 = arith.constant 0 : index
      %swap3A_27 = vector.load %arg4[%swap3A_24, %swap3A_25, %swap3A_26] : memref<256x8x640xi32, #tpu.memory_space<vmem>>, vector<1x8x640xi32>
      %swap3A_28 = arith.extui %broadcast_in_dim3A_23 : vector<1x8x640xi1> to vector<1x8x640xi32>
      %swap3A_29 = arith.constant dense<0> : vector<1x8x640xi32>
      %swap3A_30 = arith.cmpi ne, %swap3A_27, %swap3A_29 : vector<1x8x640xi32>
      tpu.vector_store %arg4[%swap3A_24, %swap3A_25, %swap3A_26], %swap3A_28 {strides = array<i32>} : memref<256x8x640xi32, #tpu.memory_space<vmem>>, vector<1x8x640xi32>,
    }
    %scan3A_6 = arith.constant 256 : i32
    return
  }
  func.func @transform_0(%arg0: i32) -> i32 {
    %c0_i32 = arith.constant 0 : i32
    %c0_i32_0 = arith.constant 0 : i32
    return %c0_i32 : i32
  }
  func.func @transform_1(%arg0: i32) -> i32 {
    %c0_i32 = arith.constant 0 : i32
    %c0_i32_0 = arith.constant 0 : i32
    return %c0_i32 : i32
  }
  func.func @transform_2(%arg0: i32) -> (i32, i32, i32) {
    %c0_i32 = arith.constant 0 : i32
    %c0_i32_0 = arith.constant 0 : i32
    %c0_i32_1 = arith.constant 0 : i32
    return %arg0, %c0_i32, %c0_i32_0 : i32, i32, i32
  }
  func.func @transform_3(%arg0: i32) -> (i32, i32, i32) {
    %c0_i32 = arith.constant 0 : i32
    %c0_i32_0 = arith.constant 0 : i32
    %c0_i32_1 = arith.constant 0 : i32
    return %arg0, %c0_i32, %c0_i32_0 : i32, i32, i32
  }
}

module attributes {stable_mosaic.version = 14 : i64} {
  func.func @_slotmap_body(%arg0: memref<4096xi32, #tpu.memory_space<smem>>, %arg1: memref<5120xi32, #tpu.memory_space<smem>>) attributes {dimension_semantics = [], scalar_prefetch = 0 : i64, scratch_operands = 0 : i64, tpu.core_type = #tpu.core_type<tc>} {
    %scan3A = arith.constant 0 : i32
    %scan3A_0 = arith.constant 5120 : i32
    %scan3A_1 = arith.addi %scan3A, %scan3A_0 : i32
    %scan3A_2 = arith.constant 1 : i32
    scf.for %scan3A_9 = %scan3A to %scan3A_1 step %scan3A_2  : i32 {
      %swap3A = arith.constant 4096 : i32
      %swap3A_10 = arith.index_cast %scan3A_9 : i32 to index
      %swap3A_11 = memref.load %arg1[%swap3A_10] : memref<5120xi32, #tpu.memory_space<smem>>
      memref.store %swap3A, %arg1[%swap3A_10] : memref<5120xi32, #tpu.memory_space<smem>>
    }
    %scan3A_3 = arith.constant 5120 : i32
    %scan3A_4 = arith.constant 0 : i32
    %scan3A_5 = arith.constant 4096 : i32
    %scan3A_6 = arith.addi %scan3A_4, %scan3A_5 : i32
    %scan3A_7 = arith.constant 1 : i32
    scf.for %scan3A_9 = %scan3A_4 to %scan3A_6 step %scan3A_7  : i32 {
      %get3A = arith.index_cast %scan3A_9 : i32 to index
      %get3A_10 = memref.load %arg0[%get3A] : memref<4096xi32, #tpu.memory_space<smem>>
      %ge3A = arith.constant 0 : i32
      %ge3A_11 = arith.cmpi sge, %get3A_10, %ge3A : i32
      %convert_element_type3A = arith.extui %ge3A_11 : i1 to i32
      %cond3A = arith.constant 0 : i32
      %cond3A_12 = arith.cmpi ne, %convert_element_type3A, %cond3A : i32
      scf.if %cond3A_12 {
        %swap3A = arith.index_cast %get3A_10 : i32 to index
        %swap3A_13 = memref.load %arg1[%swap3A] : memref<5120xi32, #tpu.memory_space<smem>>
        memref.store %scan3A_9, %arg1[%swap3A] : memref<5120xi32, #tpu.memory_space<smem>>
      } else {
      }
    }
    %scan3A_8 = arith.constant 4096 : i32
    return
  }
}

module attributes {stable_mosaic.version = 14 : i64} {
  func.func @_router_body(%arg0: memref<4096x1024xf32, #tpu.memory_space<vmem>>, %arg1: memref<8x1024xf32, #tpu.memory_space<vmem>>, %arg2: memref<4096xf32, #tpu.memory_space<vmem>>, %arg3: memref<4096xi32, #tpu.memory_space<vmem>>, %arg4: memref<4104x1024xf32, #tpu.memory_space<vmem>>) attributes {dimension_semantics = [], scalar_prefetch = 0 : i64, scratch_operands = 0 : i64, tpu.core_type = #tpu.core_type<tc>} {
    %get3A = arith.constant 0 : index
    %get3A_0 = arith.constant 0 : index
    %get3A_1 = vector.load %arg0[%get3A, %get3A_0] : memref<4096x1024xf32, #tpu.memory_space<vmem>>, vector<4096x1024xf32>
    %get3A_2 = arith.constant 0 : index
    %get3A_3 = arith.constant 0 : index
    %get3A_4 = vector.load %arg1[%get3A_2, %get3A_3] : memref<8x1024xf32, #tpu.memory_space<vmem>>, vector<8x1024xf32>
    %dot_general3A = arith.constant dense<0.000000e+00> : vector<4096x8xf32>
    %dot_general3A_5 = tpu.matmul %get3A_1, %get3A_4, %dot_general3A {dimension_numbers = #tpu.dot_dimension_numbers<[1], [1], [0], [0], [0, 0, 1, 0], [], []>, transpose_lhs_hint = false} : vector<4096x1024xf32>, vector<8x1024xf32>, vector<4096x8xf32> -> vector<4096x8xf32>
    %reduce_max3A = arith.constant dense<0xFF800000> : vector<4096xf32>
    %reduce_max3A_6 = vector.multi_reduction <maximumf>, %dot_general3A_5, %reduce_max3A [1] : vector<4096x8xf32> to vector<4096xf32>
    %broadcast_in_dim3A = vector.shape_cast %reduce_max3A_6 : vector<4096xf32> to vector<4096x1xf32>
    %sub3A = vector.broadcast %broadcast_in_dim3A : vector<4096x1xf32> to vector<4096x8xf32>
    %sub3A_7 = arith.subf %dot_general3A_5, %sub3A : vector<4096x8xf32>
    %exp3A = math.exp %sub3A_7 : vector<4096x8xf32>
    %reduce_sum3A = arith.constant dense<0.000000e+00> : vector<4096xf32>
    %reduce_sum3A_8 = vector.multi_reduction <add>, %exp3A, %reduce_sum3A [1] : vector<4096x8xf32> to vector<4096xf32>
    %broadcast_in_dim3A_9 = vector.shape_cast %reduce_sum3A_8 : vector<4096xf32> to vector<4096x1xf32>
    %div3A = arith.constant 1.000000e+00 : f32
    %div3A_10 = vector.broadcast %div3A : f32 to vector<4096x1xf32>
    %div3A_11 = arith.divf %div3A_10, %broadcast_in_dim3A_9 : vector<4096x1xf32>
    %argmax3A = tpu.reduce_index %dot_general3A_5 {axis = 1 : i32, kind = #tpu.reduction_kind<arg_max>} : vector<4096x8xf32> -> vector<4096xi32>
    %iota3A = tpu.iota {dimensions = array<i32: 1>} : vector<4096x8xi32>
    %broadcast_in_dim3A_12 = vector.shape_cast %argmax3A : vector<4096xi32> to vector<4096x1xi32>
    %eq3A = vector.broadcast %broadcast_in_dim3A_12 : vector<4096x1xi32> to vector<4096x8xi32>
    %eq3A_13 = arith.cmpi eq, %iota3A, %eq3A : vector<4096x8xi32>
    %convert_element_type3A = arith.extui %eq3A_13 : vector<4096x8xi1> to vector<4096x8xi32>
    %broadcast_in_dim3A_14 = arith.constant 0 : i32
    %broadcast_in_dim3A_15 = vector.broadcast %broadcast_in_dim3A_14 : i32 to vector<1x8xi32>
    %slice3A = vector.extract_strided_slice %convert_element_type3A {offsets = [0, 0], sizes = [4095, 8], strides = [1, 1]} : vector<4096x8xi32> to vector<4095x8xi32>
    %concatenate3A = tpu.concatenate %broadcast_in_dim3A_15, %slice3A in 0 : vector<1x8xi32>, vector<4095x8xi32> -> vector<4096x8xi32>
    %add3A = arith.addi %convert_element_type3A, %concatenate3A : vector<4096x8xi32>
    %broadcast_in_dim3A_16 = arith.constant 0 : i32
    %broadcast_in_dim3A_17 = vector.broadcast %broadcast_in_dim3A_16 : i32 to vector<2x8xi32>
    %slice3A_18 = vector.extract_strided_slice %add3A {offsets = [0, 0], sizes = [4094, 8], strides = [1, 1]} : vector<4096x8xi32> to vector<4094x8xi32>
    %concatenate3A_19 = tpu.concatenate %broadcast_in_dim3A_17, %slice3A_18 in 0 : vector<2x8xi32>, vector<4094x8xi32> -> vector<4096x8xi32>
    %add3A_20 = arith.addi %add3A, %concatenate3A_19 : vector<4096x8xi32>
    %broadcast_in_dim3A_21 = arith.constant 0 : i32
    %broadcast_in_dim3A_22 = vector.broadcast %broadcast_in_dim3A_21 : i32 to vector<4x8xi32>
    %slice3A_23 = vector.extract_strided_slice %add3A_20 {offsets = [0, 0], sizes = [4092, 8], strides = [1, 1]} : vector<4096x8xi32> to vector<4092x8xi32>
    %concatenate3A_24 = tpu.concatenate %broadcast_in_dim3A_22, %slice3A_23 in 0 : vector<4x8xi32>, vector<4092x8xi32> -> vector<4096x8xi32>
    %add3A_25 = arith.addi %add3A_20, %concatenate3A_24 : vector<4096x8xi32>
    %broadcast_in_dim3A_26 = arith.constant 0 : i32
    %broadcast_in_dim3A_27 = vector.broadcast %broadcast_in_dim3A_26 : i32 to vector<8x8xi32>
    %slice3A_28 = vector.extract_strided_slice %add3A_25 {offsets = [0, 0], sizes = [4088, 8], strides = [1, 1]} : vector<4096x8xi32> to vector<4088x8xi32>
    %concatenate3A_29 = tpu.concatenate %broadcast_in_dim3A_27, %slice3A_28 in 0 : vector<8x8xi32>, vector<4088x8xi32> -> vector<4096x8xi32>
    %add3A_30 = arith.addi %add3A_25, %concatenate3A_29 : vector<4096x8xi32>
    %broadcast_in_dim3A_31 = arith.constant 0 : i32
    %broadcast_in_dim3A_32 = vector.broadcast %broadcast_in_dim3A_31 : i32 to vector<16x8xi32>
    %slice3A_33 = vector.extract_strided_slice %add3A_30 {offsets = [0, 0], sizes = [4080, 8], strides = [1, 1]} : vector<4096x8xi32> to vector<4080x8xi32>
    %concatenate3A_34 = tpu.concatenate %broadcast_in_dim3A_32, %slice3A_33 in 0 : vector<16x8xi32>, vector<4080x8xi32> -> vector<4096x8xi32>
    %add3A_35 = arith.addi %add3A_30, %concatenate3A_34 : vector<4096x8xi32>
    %broadcast_in_dim3A_36 = arith.constant 0 : i32
    %broadcast_in_dim3A_37 = vector.broadcast %broadcast_in_dim3A_36 : i32 to vector<32x8xi32>
    %slice3A_38 = vector.extract_strided_slice %add3A_35 {offsets = [0, 0], sizes = [4064, 8], strides = [1, 1]} : vector<4096x8xi32> to vector<4064x8xi32>
    %concatenate3A_39 = tpu.concatenate %broadcast_in_dim3A_37, %slice3A_38 in 0 : vector<32x8xi32>, vector<4064x8xi32> -> vector<4096x8xi32>
    %add3A_40 = arith.addi %add3A_35, %concatenate3A_39 : vector<4096x8xi32>
    %broadcast_in_dim3A_41 = arith.constant 0 : i32
    %broadcast_in_dim3A_42 = vector.broadcast %broadcast_in_dim3A_41 : i32 to vector<64x8xi32>
    %slice3A_43 = vector.extract_strided_slice %add3A_40 {offsets = [0, 0], sizes = [4032, 8], strides = [1, 1]} : vector<4096x8xi32> to vector<4032x8xi32>
    %concatenate3A_44 = tpu.concatenate %broadcast_in_dim3A_42, %slice3A_43 in 0 : vector<64x8xi32>, vector<4032x8xi32> -> vector<4096x8xi32>
    %add3A_45 = arith.addi %add3A_40, %concatenate3A_44 : vector<4096x8xi32>
    %broadcast_in_dim3A_46 = arith.constant 0 : i32
    %broadcast_in_dim3A_47 = vector.broadcast %broadcast_in_dim3A_46 : i32 to vector<128x8xi32>
    %slice3A_48 = vector.extract_strided_slice %add3A_45 {offsets = [0, 0], sizes = [3968, 8], strides = [1, 1]} : vector<4096x8xi32> to vector<3968x8xi32>
    %concatenate3A_49 = tpu.concatenate %broadcast_in_dim3A_47, %slice3A_48 in 0 : vector<128x8xi32>, vector<3968x8xi32> -> vector<4096x8xi32>
    %add3A_50 = arith.addi %add3A_45, %concatenate3A_49 : vector<4096x8xi32>
    %broadcast_in_dim3A_51 = arith.constant 0 : i32
    %broadcast_in_dim3A_52 = vector.broadcast %broadcast_in_dim3A_51 : i32 to vector<256x8xi32>
    %slice3A_53 = vector.extract_strided_slice %add3A_50 {offsets = [0, 0], sizes = [3840, 8], strides = [1, 1]} : vector<4096x8xi32> to vector<3840x8xi32>
    %concatenate3A_54 = tpu.concatenate %broadcast_in_dim3A_52, %slice3A_53 in 0 : vector<256x8xi32>, vector<3840x8xi32> -> vector<4096x8xi32>
    %add3A_55 = arith.addi %add3A_50, %concatenate3A_54 : vector<4096x8xi32>
    %broadcast_in_dim3A_56 = arith.constant 0 : i32
    %broadcast_in_dim3A_57 = vector.broadcast %broadcast_in_dim3A_56 : i32 to vector<512x8xi32>
    %slice3A_58 = vector.extract_strided_slice %add3A_55 {offsets = [0, 0], sizes = [3584, 8], strides = [1, 1]} : vector<4096x8xi32> to vector<3584x8xi32>
    %concatenate3A_59 = tpu.concatenate %broadcast_in_dim3A_57, %slice3A_58 in 0 : vector<512x8xi32>, vector<3584x8xi32> -> vector<4096x8xi32>
    %add3A_60 = arith.addi %add3A_55, %concatenate3A_59 : vector<4096x8xi32>
    %broadcast_in_dim3A_61 = arith.constant 0 : i32
    %broadcast_in_dim3A_62 = vector.broadcast %broadcast_in_dim3A_61 : i32 to vector<1024x8xi32>
    %slice3A_63 = vector.extract_strided_slice %add3A_60 {offsets = [0, 0], sizes = [3072, 8], strides = [1, 1]} : vector<4096x8xi32> to vector<3072x8xi32>
    %concatenate3A_64 = tpu.concatenate %broadcast_in_dim3A_62, %slice3A_63 in 0 : vector<1024x8xi32>, vector<3072x8xi32> -> vector<4096x8xi32>
    %add3A_65 = arith.addi %add3A_60, %concatenate3A_64 : vector<4096x8xi32>
    %broadcast_in_dim3A_66 = arith.constant 0 : i32
    %broadcast_in_dim3A_67 = vector.broadcast %broadcast_in_dim3A_66 : i32 to vector<2048x8xi32>
    %slice3A_68 = vector.extract_strided_slice %add3A_65 {offsets = [0, 0], sizes = [2048, 8], strides = [1, 1]} : vector<4096x8xi32> to vector<2048x8xi32>
    %concatenate3A_69 = tpu.concatenate %broadcast_in_dim3A_67, %slice3A_68 in 0 : vector<2048x8xi32>, vector<2048x8xi32> -> vector<4096x8xi32>
    %add3A_70 = arith.addi %add3A_65, %concatenate3A_69 : vector<4096x8xi32>
    %sub3A_71 = arith.constant 1 : i32
    %sub3A_72 = vector.broadcast %sub3A_71 : i32 to vector<4096x8xi32>
    %sub3A_73 = arith.subi %add3A_70, %sub3A_72 : vector<4096x8xi32>
    %jit3A = arith.constant 0 : i32
    %broadcast_in_dim3A_74 = vector.broadcast %jit3A : i32 to vector<4096x8xi32>
    %select_n3A = arith.select %eq3A_13, %sub3A_73, %broadcast_in_dim3A_74 : vector<4096x8xi1>, vector<4096x8xi32>
    %reduce_sum3A_75 = arith.constant dense<0> : vector<4096xi32>
    %reduce_sum3A_76 = vector.multi_reduction <add>, %select_n3A, %reduce_sum3A_75 [1] : vector<4096x8xi32> to vector<4096xi32>
    %lt3A = arith.constant 640 : i32
    %lt3A_77 = vector.broadcast %lt3A : i32 to vector<4096xi32>
    %lt3A_78 = arith.cmpi slt, %reduce_sum3A_76, %lt3A_77 : vector<4096xi32>
    %mul3A = arith.constant 640 : i32
    %mul3A_79 = vector.broadcast %mul3A : i32 to vector<4096xi32>
    %mul3A_80 = arith.muli %argmax3A, %mul3A_79 : vector<4096xi32>
    %add3A_81 = arith.addi %mul3A_80, %reduce_sum3A_76 : vector<4096xi32>
    %jit3A_82 = arith.constant -1 : i32
    %broadcast_in_dim3A_83 = vector.broadcast %jit3A_82 : i32 to vector<4096xi32>
    %select_n3A_84 = arith.select %lt3A_78, %add3A_81, %broadcast_in_dim3A_83 : vector<4096xi1>, vector<4096xi32>
    %reduce_sum3A_85 = arith.constant dense<0.000000e+00> : vector<4096xf32>
    %reduce_sum3A_86 = vector.multi_reduction <add>, %div3A_11, %reduce_sum3A_85 [1] : vector<4096x1xf32> to vector<4096xf32>
    %swap3A = arith.constant 0 : index
    %swap3A_87 = vector.load %arg2[%swap3A] : memref<4096xf32, #tpu.memory_space<vmem>>, vector<4096xf32>
    tpu.vector_store %arg2[%swap3A], %reduce_sum3A_86 {strides = array<i32>} : memref<4096xf32, #tpu.memory_space<vmem>>, vector<4096xf32>,
    %swap3A_88 = arith.constant 0 : index
    %swap3A_89 = vector.load %arg3[%swap3A_88] : memref<4096xi32, #tpu.memory_space<vmem>>, vector<4096xi32>
    tpu.vector_store %arg3[%swap3A_88], %select_n3A_84 {strides = array<i32>} : memref<4096xi32, #tpu.memory_space<vmem>>, vector<4096xi32>,
    %mul3A_90 = vector.broadcast %div3A_11 : vector<4096x1xf32> to vector<4096x1024xf32>
    %mul3A_91 = arith.mulf %get3A_1, %mul3A_90 : vector<4096x1024xf32>
    %swap3A_92 = arith.constant 0 : index
    %swap3A_93 = arith.constant 0 : index
    %swap3A_94 = vector.load %arg4[%swap3A_92, %swap3A_93] : memref<4104x1024xf32, #tpu.memory_space<vmem>>, vector<4096x1024xf32>
    tpu.vector_store %arg4[%swap3A_92, %swap3A_93], %mul3A_91 {strides = array<i32>} : memref<4104x1024xf32, #tpu.memory_space<vmem>>, vector<4096x1024xf32>,
    %broadcast_in_dim3A_95 = arith.constant 0.000000e+00 : f32
    %broadcast_in_dim3A_96 = vector.broadcast %broadcast_in_dim3A_95 : f32 to vector<8x1024xf32>
    %swap3A_97 = arith.constant 4096 : index
    %swap3A_98 = arith.constant 0 : index
    %swap3A_99 = vector.load %arg4[%swap3A_97, %swap3A_98] : memref<4104x1024xf32, #tpu.memory_space<vmem>>, vector<8x1024xf32>
    tpu.vector_store %arg4[%swap3A_97, %swap3A_98], %broadcast_in_dim3A_96 {strides = array<i32>} : memref<4104x1024xf32, #tpu.memory_space<vmem>>, vector<8x1024xf32>,
    return
  }
}

</mosaic_0001>

<sc_bundles>
// kernel: kernel.6.cloned.1.call-start
scs
__scs_entry_jumppad:
0x0: {  	(pc) =	sbr.rel $0x88, $3  }
0x1: {  	(tag) =	ssettag $0x0;
	lr =	simm.s32 $0x1  }
0x2: {  	[smem:$0x3F9F] =	sst lr;
	_ =	strace $0xD0000000  }
0x3: {  	_ = 	snop  }
0x4: {  	_ = 	snop  }
0x5: {  	_ = 	snop  }
0x6: {  	_ = 	snop  }
0x7: {  	_ = 	snop  }
__scs_overlays_trampoline_lowered:
0x8: {  	[smem:$0x3FAE] =	sst s0  }
0x9: {  	[smem:$0x3FAF] =	sst s1  }
0xa: {  	[smem:$0x3FB0] =	sst s2  }
0xb: {  	[smem:$0x3FB1] =	sst s3  }
0xc: {  	[smem:$0x3FB2] =	sst s4  }
0xd: {  	[smem:$0x3FB3] =	sst s5  }
0xe: {  	[smem:$0x3FB4] =	sst s6  }
0xf: {  	[smem:$0x3FB5] =	sst s7  }
0x10: {  	[smem:$0x3FB6] =	sst s8  }
0x11: {  	[smem:$0x3FB7] =	sst s9;
	s0 =	simm.s32 @!p0 $0x0  }
0x12: {  	s1 =	sld [smem:$0x3F9D];
	s0 =	simm.s32 @p0 $0x1  }
0x13: {  	[smem:$0x3FB8] =	sst s0;
	s0 =	simm.s32 @!p1 $0x0  }
0x14: {  	s2 =	sld [smem:$0x3F9C];
	s0 =	simm.s32 @p1 $0x1  }
0x15: {  	[smem:$0x3FB9] =	sst s0;
	s0 =	simm.s32 @!p2 $0x0  }
0x16: {  	s3 =	sld [smem:$0x3FDB];
	s0 =	simm.s32 @p2 $0x1  }
0x17: {  	s4 =	simm.s32 $0x1BF5;
	[smem:$0x3FBB] =	sst s0  }
0x18: {  	s0 =	sld [smem:$0x3F9E];
	_ =	swait.ge [sflag:s4], $0x0  }
0x19: {  	s7 =	sld [smem:$0x3F9F]  }
0x1a: {  	s8 =	sadd.s32 $0xFFFFE003, lr  }
0x1b: {  	s9 =	sadd.s32 $0xFFFFFEF7, lr;
	s5 =	simm.s32 $0xFFFFFFFF;
	p2 =	slt.u32 s8, $0xFFFFF086  }
0x1c: {  	p1 =	slt.u32 s9, $0xF7A;
	s5 =	simm.s32 @!p2 $0x0  }
0x1d: {  	s5 =	simm.s32 @p1 $0x1;
	p0 =	seq.s32 s7, s2  }
0x1e: {  	s7 =	smul.u32 @!p0 $0xF7A, s2;
	p2 =	seq.s32 @!p0 s5, $0x0  }
0x1f: {  	s9 =	smul.u32 $0xF7A, s1;
	s8 =	simm.s32 @!p0 $0x1BF5;
	p2 =	por !p2, p0  }
0x20: {  	[sflag:s8] =	ssyncset.s32 @!p0 $0xFFFFF086;
	s6 =	sadd.s32 @!p0 s3, s7;
	s7 =	simm.s32 @!p0 $0x108  }
0x21: {  	s3 =	sadd.s32 s3, s9;
	s6 =	sadd.s32 @!p0 $0x88, s6;
	s7 =	simm.s32 @p2 $0x1082  }
0x22: {  	[simem:s7], [sflag:s8] =	dma.local @!p0 [hbm:s6], $0xF7A  }
0x23: {  	s9 =	sor.u32 $0xD0000000, s2;
	s6 =	simm.s32 $0x108;
	_ =	swait.ge @!p0 [sflag:s8], $0x0  }
0x24: {  	s3 =	sadd.s32 $0x88, s3;
	s6 =	simm.s32 @!p1 $0x1082;
	[sflag:s4] =	ssyncset.s32 $0xFFFFF086  }
0x25: {  	[simem:s6], [sflag:s4] =	dma.local [hbm:s3], $0xF7A  }
0x26: {  	[smem:$0x3F9F] =	sst s1;
	(tag) =	ssettag s2;
	_ =	strace s9  }
0x27: {  	s1 =	sld [smem:$0x3FAF]  }
0x28: {  	s2 =	sld [smem:$0x3FB0]  }
0x29: {  	s4 =	sld [smem:$0x3FB2]  }
0x2a: {  	p0 =	seq.s32 s5, $0x0;
	s5 =	sld [smem:$0x3FB3]  }
0x2b: {  	s6 =	sld [smem:$0x3FB4]  }
0x2c: {  	s7 =	sld [smem:$0x3FB5]  }
0x2d: {  	s3 =	simm.s32 $0x108;
	s8 =	sld [smem:$0x3FB6]  }
0x2e: {  	s3 =	simm.s32 @!p0 $0x1082;
	s9 =	sld [smem:$0x3FB7]  }
0x2f: {  	lr =	sadd.s32 s0, s3;
	s0 =	sld [smem:$0x3FAE]  }
0x30: {  	s3 =	sld [smem:$0x3FB1]  }
0x31: {  	[smem:$0x3FBA] =	sst s10  }
0x32: {  	s10 =	sld [smem:$0x3FB8];
	_ =	sdelay $0x3  }
0x33: {  	p0 =	seq.s32 s10, $0x1;
	s10 =	sld [smem:$0x3FBA];
	_ =	sdelay $0x3  }
0x34: {  	[smem:$0x3FBA] =	sst s10  }
0x35: {  	s10 =	sld [smem:$0x3FB9];
	_ =	sdelay $0x3  }
0x36: {  	p1 =	seq.s32 s10, $0x1;
	s10 =	sld [smem:$0x3FBA];
	_ =	sdelay $0x3  }
0x37: {  	[smem:$0x3FBA] =	sst s10  }
0x38: {  	s10 =	sld [smem:$0x3FBB]  }
0x39: {  	_ = 	snop;
	(pc) =	sbr.ind lr, $3  }
0x3a: {  	_ = 	snop  }
0x3b: {  	_ = 	snop  }
0x3c: {  	p2 =	seq.s32 s10, $0x1;
	s10 =	sld [smem:$0x3FBA]  }
0x3d: {  	_ =	shalt  }
0x3e: {  	_ =	shalt  }
0x3f: {  	_ =	shalt  }
0x40: {  	_ =	shalt  }
0x41: {  	_ =	shalt  }
0x42: {  	_ =	shalt  }
0x43: {  	_ =	shalt  }
0x44: {  	_ =	shalt  }
0x45: {  	_ =	shalt  }
0x46: {  	_ =	shalt  }
0x47: {  	_ =	shalt  }
0x48: {  	_ =	shalt  }
0x49: {  	_ =	shalt  }
0x4a: {  	_ =	shalt  }
0x4b: {  	_ =	shalt  }
0x4c: {  	_ =	shalt  }
0x4d: {  	_ =	shalt  }
0x4e: {  	_ =	shalt  }
0x4f: {  	_ =	shalt  }
0x50: {  	_ =	shalt  }
0x51: {  	_ =	shalt  }
0x52: {  	_ =	shalt  }
0x53: {  	_ =	shalt  }
0x54: {  	_ =	shalt  }
0x55: {  	_ =	shalt  }
0x56: {  	_ =	shalt  }
0x57: {  	_ =	shalt  }
0x58: {  	_ =	shalt  }
0x59: {  	_ =	shalt  }
0x5a: {  	_ =	shalt  }
0x5b: {  	_ =	shalt  }
0x5c: {  	_ =	shalt  }
0x5d: {  	_ =	shalt  }
0x5e: {  	_ =	shalt  }
0x5f: {  	_ =	shalt  }
0x60: {  	_ =	shalt  }
0x61: {  	_ =	shalt  }
0x62: {  	_ =	shalt  }
0x63: {  	_ =	shalt  }
0x64: {  	_ =	shalt  }
0x65: {  	_ =	shalt  }
0x66: {  	_ =	shalt  }
0x67: {  	_ =	shalt  }
0x68: {  	_ =	shalt  }
0x69: {  	_ =	shalt  }
0x6a: {  	_ =	shalt  }
0x6b: {  	_ =	shalt  }
0x6c: {  	_ =	shalt  }
0x6d: {  	_ =	shalt  }
0x6e: {  	_ =	shalt  }
0x6f: {  	_ =	shalt  }
0x70: {  	_ =	shalt  }
0x71: {  	_ =	shalt  }
0x72: {  	_ =	shalt  }
0x73: {  	_ =	shalt  }
0x74: {  	_ =	shalt  }
0x75: {  	_ =	shalt  }
0x76: {  	_ =	shalt  }
0x77: {  	_ =	shalt  }
0x78: {  	_ =	shalt  }
0x79: {  	_ =	shalt  }
0x7a: {  	_ =	shalt  }
0x7b: {  	_ =	shalt  }
0x7c: {  	_ =	shalt  }
0x7d: {  	_ =	shalt  }
0x7e: {  	_ =	shalt  }
0x7f: {  	_ =	shalt  }
0x80: {  	_ =	shalt  }
0x81: {  	_ =	shalt  }
0x82: {  	_ =	shalt  }
0x83: {  	_ =	shalt  }
0x84: {  	_ =	shalt  }
0x85: {  	_ =	shalt  }
0x86: {  	_ =	shalt  }
0x87: {  	_ =	shalt  }
.Lfunc_end0:
.L_simem_size_0:
called_computation_lowered:
.L_overlay_start_0:
0x88: {  	s2 =	sld [smem:$0x3FD9]  }
0x89: {  	s3 =	sld [smem:$0x3FFE];
	_ =	sdelay $0x1  }
0x8a: {  	s1 =	srdreg.scid  }
0x8b: {  	s0 =	sand.u32 $0x1, s1  }
0x8c: {  	s14 =	sshll.u32 s0, $0xA;
	s2 =	sadd.s32 s3, s2  }
0x8d: {  	s2 =	sadd.s32 s2, s14  }
0x8e: {  	[smem:$0x3FC6] =	sst s2  }
0x8f: {  	_ = 	snop  }
0x90: {  	s2 =	sld [smem:$0x3FD0];
	_ =	sdelay $0x2  }
0x91: {  	s15 =	simm.s32 $0xA;
	s4 =	simm.s32 $0x10  }
0x92: {  	[smem:s4], [sflag:s15] =	dma.local [hbm:s2], $0x1  }
0x93: {  	_ =	swait.eq [sflag:s15], $0x1  }
0x94: {  	[sflag:s15] =	ssyncset.done $0x0  }
0x95: {  	[sflag:s15] =	ssyncadd.s32 $0xFFFFFFFF  }
0x96: {  	s16 =	sld [smem:$0x10];
	(tm) =	ssettm $0x1  }
0x97: {  	s17 =	sld [smem:$0x3FFB];
	_ =	sdelay $0x3  }
0x98: {  	_ =	strace s17  }
0x99: {  	s3 =	sld [smem:$0x3FFC];
	_ =	sdelay $0x3  }
0x9a: {  	_ =	strace s3  }
0x9b: {  	s3 =	sld [smem:$0x3FFD];
	_ =	sdelay $0x3  }
0x9c: {  	_ =	strace s3  }
0x9d: {  	_ =	strace $0x8FFFFFFF  }
0x9e: {  	s18 =	sld [smem:$0x3FDB];
	_ =	sdelay $0x1  }
0x9f: {  	s19 =	simm.s32 $_scs_section_size  }
0xa0: {  	s5 =	simm.s32 $_size__tile_overlayer_lowered;
	s6 =	simm.s32 $_tile_overlayer_lowered  }
0xa1: {  	s22 =	simm.s32 $0x1BFF;
	s21 =	sshll.u32 s6, $0x1;
	s3 =	sadd.s32 s19, s18  }
0xa2: {  	s7 =	simm.s32 $0x0;
	s20 =	sshll.u32 s5, $0x1;
	s5 =	sadd.s32 s21, s3  }
0xa3: {  	[timem:s7], [sflag:s22] =	dma.local [hbm:s5], s20  }
0xa4: {  	_ =	swait.ge [sflag:s22], s20  }
0xa5: {  	s4 =	ssub.s32 $0x0, s20;
	[sflag:s22] =	ssyncset.done $0x0  }
0xa6: {  	[sflag:s22] =	ssyncadd.s32 s4;
	_ =	sdelay $0x1  }
0xa7: {  	s23 =	simm.s32 $0x1B8B  }
0xa8: {  	_ =	swait.ge [sflag:s23], $0x1  }
0xa9: {  	[sflag:s23] =	ssyncset.done $0x0  }
0xaa: {  	s25 =	simm.s32 $0x1B8E;
	s24 =	sld [smem:$0x3FFE];
	[sflag:s23] =	ssyncadd.s32 $0xFFFFFFFF  }
0xab: {  	s26 =	simm.s32 $execute0_lowered;
	[smem:$0x3FD2] =	sst s25  }
0xac: {  	s5 =	sshll.u32 s26, $0x1;
	_ =	strace $0x80000046;
	[dreg:$0x1] =	wrdreg $0xFFFFFFFF  }
0xad: {  	s28 =	simm.s32 $_size_execute0_lowered;
	s3 =	sadd.s32 s3, s5;
	[dreg:$0x0] =	wrdreg $0x0  }
0xae: {  	s5 =	sshll.u32 s28, $0x1;
	[dreg:$0x2] =	wrdreg s3  }
0xaf: {  	[dreg:$0x3] =	wrdreg s5  }
0xb0: {  	[dreg:$0x4] =	wrdreg $0xC0  }
0xb1: {  	_ =	task [dreg:s7], $0x5FFFF  }
0xb2: {  	[dreg:$0x1] =	wrdreg $0xFFFFFFFF  }
0xb3: {  	[dreg:$0x0] =	wrdreg $0x60  }
0xb4: {  	[dreg:$0x2] =	wrdreg s24  }
0xb5: {  	[dreg:$0x3] =	wrdreg s16  }
0xb6: {  	[dreg:$0x4] =	wrdreg $0x9  }
0xb7: {  	_ =	task.clear_ibuf [dreg:s7], $0x5FFFF;
	_ =	strace $0x90000046  }
0xb8: {  	s29 =	simm.s32 $0x9;
	_ =	strace $0x80000048  }
0xb9: {  	_ =	swait.ge [sflag:s29], $0x1  }
0xba: {  	[sflag:s29] =	ssyncadd.s32 $0xFFFFFFFF  }
0xbb: {  	_ =	strace $0x90000048  }
0xbc: {  	_ =	sfence  }
0xbd: {  	s30 =	sld [smem:$0x0];
	_ =	sdelay $0x2  }
0xbe: {  	s31 =	sshll.u32 s1, $0xD;
	s1 =	sshrl.u32 s1, $0x2  }
0xbf: {  	s3 =	sand.u32 $0x4000, s31;
	s1 =	sadd.s32 s1, s30  }
0xc0: {  	s0 =	sor.u32 s3, s0;
	s1 =	sshll.u32 s1, $0x11  }
0xc1: {  	s0 =	sor.u32 s1, s0  }
0xc2: {  	s0 =	sadd.s32 $0x8F2B, s0  }
0xc3: {  	[sflag:s0] =	ssyncadd.remote.s32 $0x1  }
0xc4: {  	_ =	sfence.sel $0xFFFF  }
0xc5: {  	[dreg:$0x0] =	wrdreg $0xFFFFFFFF;
	(pc) =	sbr.abs _section_cstart, $3  }
0xc6: {  	[dreg:$0x1] =	wrdreg $0xFFFFFFFF  }
0xc7: {  	_ =	task.clear_ibuf [dreg:s7], $0x2FFFF;
	_ =	strace $0x9FFFFFFF  }
0xc8: {  	(tm) =	ssettm $0x7FFFFFFF  }
0xc9: {  	_ =	shalt  }
tec
execute0_lowered:
.L_overlay_start_1:
0x0: {  	(tag) =	ssettag $0x1  }
0x1: {  	s0 =	rddreg [dreg:$0x0]  }
0x2: {  	s1 =	srdreg.scid;
	s2 =	stileid.u32  }
0x3: {  	s4 =	rddreg [dreg:$0x1];
	s9 =	simm.s32 $0x1;
	s28 =	simm.s32 $0x2  }
0x4: {  	s30 =	simm.s32 $0x100;
	s31 =	simm.s32 $0x900;
	s10 =	simm.s32 $0x2100  }
0x5: {  	s11 =	simm.s32 $0x2900;
	s12 =	simm.s32 $0x3100;
	s13 =	simm.s32 $0x3900  }
0x6: {  	s14 =	simm.s32 $0x4100;
	s15 =	simm.s32 $0x4900;
	s16 =	simm.s32 $0x5100  }
0x7: {  	s17 =	simm.s32 $0x5900;
	s18 =	simm.s32 $0x6100;
	s19 =	simm.s32 $0x6900  }
0x8: {  	s20 =	simm.s32 $0x7100;
	s21 =	simm.s32 $0x7900;
	s22 =	simm.s32 $0x8100  }
0x9: {  	s23 =	simm.s32 $0x8900;
	s1 =	sand.u32 $0x1, s1;
	s3 =	sshll.u32 s2, $0x1  }
0xa: {  	s24 =	simm.s32 $0x9100;
	s2 =	simm.s32 $0x0;
	s5 =	sor.u32 s1, s3  }
0xb: {  	[smem:$0x7FF] =	sst s2;
	s1 =	ssub.s32 $0x2, s1;
	s3 =	smul.u32 $0x14, s5  }
0xc: {  	_ =	strace $0x80000047;
	s7 =	smul.u32 $0x28000, s5;
	s8 =	sshrl.u32 s1, $0x1  }
0xd: {  	s5 =	smul.u32 $0x5000, s5;
	s1 =	ssub.s32 s1, s8;
	s8 =	simm.s32 $0x3  }
0xe: {  	s6 =	sadd.s32 s3, s0;
	s3 =	sadd.s32 $0xE00, s0;
	s7 =	sshrl.u32 s7, $0x3  }
0xf: {  	s5 =	sadd.s32 s4, s5;
	s6 =	sadd.s32 $0x81200, s6;
	s7 =	sadd.s32 s4, s7  }
0x10: {  	s4 =	sadd.s32 $0xF00, s0;
	[dreg:$0x4] =	wrdreg s5;
	s5 =	sadd.s32 $0x1000, s0  }
0x11: {  	[dreg:$0x3] =	wrdreg s6;
	s25 =	sadd.s32 $0x1400, s7;
	s26 =	sadd.s32 $0x2800, s7  }
0x12: {  	v2 =	vlaneseq.u32;
	s6 =	sadd.s32 $0x1100, s0;
	s29 =	sadd.s32 $0x3C00, s7;
	[dreg:$0x5] =	wrdreg s25  }
0x13: {  	vm0 =	vmmov $0xffff;
	v1 =	vshrl.u32 v2, $0x3;
	s7 =	smax.u32 s1, $0x1;
	s1 =	simm.s32 $0x1100;
	[dreg:$0x6] =	wrdreg s26  }
0x14: {  	v0 =	vand.u32 $0x7, v2;
	v2 =	vor.u32 $0x8, v2;
	v1 =	vmul.u32 $0x8, v1;
	[dreg:$0x7] =	wrdreg s29;
	s25 =	simm.s32 $0x9900;
	s26 =	simm.s32 $0xA100  }
.LBB2_1:
0x15: {  	s29 =	rddreg [dreg:$0x3]  }
0x16: {  	[tilespmem:s2], [sflag:$0x3] =	stream.linear.gather [hbm4b:s29+s2], $0xA0, $0x38;
	[tilespmem:$0x14100] =	vst v63  }
0x17: {  	_ =	swait.ge [sflag:s8], $0xA0  }
0x18: {  	[sflag:s8] =	ssyncset.done $0x0  }
0x19: {  	[sflag:s8] =	ssyncadd.s32 $0xFFFFFF60  }
0x1a: {  	v3 =	vld [tilespmem:$0x0];
	_ =	sdelay $0x4  }
0x1b: {  	v4 =	vshll.u32 v3, $0x3  }
0x1c: {  	v3 =	vand.u32 $0x7, v3;
	v4 =	vand.u32 $0xFFFFFFC0, v4  }
0x1d: {  	v3 =	vor.u32 v3, v4  }
0x1e: {  	v4 =	vperm.xlane v3, v0;
	_ =	sdelay $0x1  }
0x1f: {  	v4 =	vadd.s32 v1, v4;
	_ =	sdelay $0x4  }
0x20: {  	[tilespmem:s30], [sflag:$0x1] =	stream.indirect_vreg.gather [hbm4b:s3+s2], $0x80, v4, vm0, $0xb8;
	[tilespmem:$0x14100] =	vst v63  }
0x21: {  	v3 =	vperm.xlane v3, v2  }
0x22: {  	[tilespmem:s31], [sflag:$0x1] =	stream.indirect_vreg.gather [hbm4b:s4+s2], $0x80, v4, vm0, $0xb8;
	[tilespmem:$0x14100] =	vst v63  }
0x23: {  	v3 =	vadd.s32 v1, v3  }
0x24: {  	[tilespmem:s1], [sflag:$0x1] =	stream.indirect_vreg.gather [hbm4b:s5+s2], $0x80, v4, vm0, $0xb8;
	[tilespmem:$0x14100] =	vst v63  }
0x25: {  	s0 =	simm.s32 $0x1900  }
0x26: {  	[tilespmem:s0], [sflag:$0x1] =	stream.indirect_vreg.gather [hbm4b:s6+s2], $0x80, v4, vm0, $0xb8;
	[tilespmem:$0x14100] =	vst v63  }
0x27: {  	_ = 	snop  }
0x28: {  	[tilespmem:s10], [sflag:$0x1] =	stream.indirect_vreg.gather [hbm4b:s3+s2], $0x80, v3, vm0, $0xb8;
	[tilespmem:$0x14100] =	vst v63  }
0x29: {  	_ = 	snop  }
0x2a: {  	[tilespmem:s11], [sflag:$0x1] =	stream.indirect_vreg.gather [hbm4b:s4+s2], $0x80, v3, vm0, $0xb8;
	[tilespmem:$0x14100] =	vst v63  }
0x2b: {  	_ = 	snop  }
0x2c: {  	[tilespmem:s12], [sflag:$0x1] =	stream.indirect_vreg.gather [hbm4b:s5+s2], $0x80, v3, vm0, $0xb8;
	[tilespmem:$0x14100] =	vst v63  }
0x2d: {  	_ = 	snop  }
0x2e: {  	[tilespmem:s13], [sflag:$0x1] =	stream.indirect_vreg.gather [hbm4b:s6+s2], $0x80, v3, vm0, $0xb8;
	[tilespmem:$0x14100] =	vst v63  }
0x2f: {  	v3 =	vld [tilespmem:$0x10];
	_ =	sdelay $0x4  }
0x30: {  	v53 =	vshll.u32 v3, $0x3  }
0x31: {  	v3 =	vand.u32 $0x7, v3;
	v4 =	vand.u32 $0xFFFFFFC0, v53  }
0x32: {  	v3 =	vor.u32 v3, v4  }
0x33: {  	v4 =	vperm.xlane v3, v0;
	_ =	sdelay $0x1  }
0x34: {  	v4 =	vadd.s32 v1, v4;
	_ =	sdelay $0x4  }
0x35: {  	[tilespmem:s14], [sflag:$0x1] =	stream.indirect_vreg.gather [hbm4b:s3+s2], $0x80, v4, vm0, $0xb8;
	[tilespmem:$0x14100] =	vst v63  }
0x36: {  	v3 =	vperm.xlane v3, v2  }
0x37: {  	[tilespmem:s15], [sflag:$0x1] =	stream.indirect_vreg.gather [hbm4b:s4+s2], $0x80, v4, vm0, $0xb8;
	[tilespmem:$0x14100] =	vst v63  }
0x38: {  	v3 =	vadd.s32 v1, v3  }
0x39: {  	[tilespmem:s16], [sflag:$0x1] =	stream.indirect_vreg.gather [hbm4b:s5+s2], $0x80, v4, vm0, $0xb8;
	[tilespmem:$0x14100] =	vst v63  }
0x3a: {  	_ = 	snop  }
0x3b: {  	[tilespmem:s17], [sflag:$0x1] =	stream.indirect_vreg.gather [hbm4b:s6+s2], $0x80, v4, vm0, $0xb8;
	[tilespmem:$0x14100] =	vst v63  }
0x3c: {  	_ = 	snop  }
0x3d: {  	[tilespmem:s18], [sflag:$0x1] =	stream.indirect_vreg.gather [hbm4b:s3+s2], $0x80, v3, vm0, $0xb8;
	[tilespmem:$0x14100] =	vst v63  }
0x3e: {  	_ = 	snop  }
0x3f: {  	[tilespmem:s19], [sflag:$0x1] =	stream.indirect_vreg.gather [hbm4b:s4+s2], $0x80, v3, vm0, $0xb8;
	[tilespmem:$0x14100] =	vst v63  }
0x40: {  	_ = 	snop  }
0x41: {  	[tilespmem:s20], [sflag:$0x1] =	stream.indirect_vreg.gather [hbm4b:s5+s2], $0x80, v3, vm0, $0xb8;
	[tilespmem:$0x14100] =	vst v63  }
0x42: {  	_ = 	snop  }
0x43: {  	[tilespmem:s21], [sflag:$0x1] =	stream.indirect_vreg.gather [hbm4b:s6+s2], $0x80, v3, vm0, $0xb8;
	[tilespmem:$0x14100] =	vst v63  }
0x44: {  	v3 =	vld.msk [tilespmem:$0x20], $0xff;
	_ =	sdelay $0x4  }
0x45: {  	v54 =	vshll.u32 v3, $0x3  }
0x46: {  	v3 =	vand.u32 $0x7, v3;
	v4 =	vand.u32 $0xFFFFFFC0, v54  }
0x47: {  	v3 =	vor.u32 v3, v4  }
0x48: {  	v3 =	vperm.xlane v3, v0;
	_ =	sdelay $0x1  }
0x49: {  	v3 =	vadd.s32 v1, v3;
	_ =	sdelay $0x4  }
0x4a: {  	[tilespmem:s22], [sflag:$0x1] =	stream.indirect_vreg.gather [hbm4b:s3+s2], $0x80, v3, vm0, $0xb8;
	[tilespmem:$0x14100] =	vst v63  }
0x4b: {  	_ = 	snop  }
0x4c: {  	[tilespmem:s23], [sflag:$0x1] =	stream.indirect_vreg.gather [hbm4b:s4+s2], $0x80, v3, vm0, $0xb8;
	[tilespmem:$0x14100] =	vst v63  }
0x4d: {  	_ = 	snop  }
0x4e: {  	[tilespmem:s24], [sflag:$0x1] =	stream.indirect_vreg.gather [hbm4b:s5+s2], $0x80, v3, vm0, $0xb8;
	[tilespmem:$0x14100] =	vst v63  }
0x4f: {  	_ = 	snop  }
0x50: {  	[tilespmem:s25], [sflag:$0x1] =	stream.indirect_vreg.gather [hbm4b:s6+s2], $0x80, v3, vm0, $0xb8;
	[tilespmem:$0x14100] =	vst v63  }
0x51: {  	v3 =	vld [tilespmem:$0x28];
	_ =	sdelay $0x4  }
0x52: {  	v55 =	vshll.u32 v3, $0x3  }
0x53: {  	v3 =	vand.u32 $0x7, v3;
	v4 =	vand.u32 $0xFFFFFFC0, v55  }
0x54: {  	v3 =	vor.u32 v3, v4  }
0x55: {  	v4 =	vperm.xlane v3, v0;
	_ =	sdelay $0x1  }
0x56: {  	v4 =	vadd.s32 v1, v4;
	_ =	sdelay $0x4  }
0x57: {  	[tilespmem:s26], [sflag:$0x2] =	stream.indirect_vreg.gather [hbm4b:s3+s2], $0x80, v4, vm0, $0xb8;
	[tilespmem:$0x14100] =	vst v63  }
0x58: {  	s29 =	simm.s32 $0xA900;
	v3 =	vperm.xlane v3, v2  }
0x59: {  	[tilespmem:s29], [sflag:$0x2] =	stream.indirect_vreg.gather [hbm4b:s4+s2], $0x80, v4, vm0, $0xb8;
	[tilespmem:$0x14100] =	vst v63  }
0x5a: {  	v3 =	vadd.s32 v1, v3;
	s29 =	simm.s32 $0xB100  }
0x5b: {  	[tilespmem:s29], [sflag:$0x2] =	stream.indirect_vreg.gather [hbm4b:s5+s2], $0x80, v4, vm0, $0xb8;
	[tilespmem:$0x14100] =	vst v63  }
0x5c: {  	s29 =	simm.s32 $0xB900  }
0x5d: {  	[tilespmem:s29], [sflag:$0x2] =	stream.indirect_vreg.gather [hbm4b:s6+s2], $0x80, v4, vm0, $0xb8;
	[tilespmem:$0x14100] =	vst v63  }
0x5e: {  	s29 =	simm.s32 $0xC100  }
0x5f: {  	[tilespmem:s29], [sflag:$0x2] =	stream.indirect_vreg.gather [hbm4b:s3+s2], $0x80, v3, vm0, $0xb8;
	[tilespmem:$0x14100] =	vst v63  }
0x60: {  	s29 =	simm.s32 $0xC900  }
0x61: {  	[tilespmem:s29], [sflag:$0x2] =	stream.indirect_vreg.gather [hbm4b:s4+s2], $0x80, v3, vm0, $0xb8;
	[tilespmem:$0x14100] =	vst v63  }
0x62: {  	s29 =	simm.s32 $0xD100  }
0x63: {  	[tilespmem:s29], [sflag:$0x2] =	stream.indirect_vreg.gather [hbm4b:s5+s2], $0x80, v3, vm0, $0xb8;
	[tilespmem:$0x14100] =	vst v63  }
0x64: {  	s29 =	simm.s32 $0xD900  }
0x65: {  	[tilespmem:s29], [sflag:$0x2] =	stream.indirect_vreg.gather [hbm4b:s6+s2], $0x80, v3, vm0, $0xb8;
	[tilespmem:$0x14100] =	vst v63  }
0x66: {  	v3 =	vld [tilespmem:$0x38];
	_ =	sdelay $0x4  }
0x67: {  	v56 =	vshll.u32 v3, $0x3  }
0x68: {  	v3 =	vand.u32 $0x7, v3;
	v4 =	vand.u32 $0xFFFFFFC0, v56  }
0x69: {  	v3 =	vor.u32 v3, v4  }
0x6a: {  	v4 =	vperm.xlane v3, v0;
	_ =	sdelay $0x1  }
0x6b: {  	v4 =	vadd.s32 v1, v4;
	_ =	sdelay $0x3  }
0x6c: {  	s29 =	simm.s32 $0xE100  }
0x6d: {  	[tilespmem:s29], [sflag:$0x2] =	stream.indirect_vreg.gather [hbm4b:s3+s2], $0x80, v4, vm0, $0xb8;
	[tilespmem:$0x14100] =	vst v63  }
0x6e: {  	v3 =	vperm.xlane v3, v2;
	s29 =	simm.s32 $0xE900  }
0x6f: {  	[tilespmem:s29], [sflag:$0x2] =	stream.indirect_vreg.gather [hbm4b:s4+s2], $0x80, v4, vm0, $0xb8;
	[tilespmem:$0x14100] =	vst v63  }
0x70: {  	v3 =	vadd.s32 v1, v3;
	s29 =	simm.s32 $0xF100  }
0x71: {  	[tilespmem:s29], [sflag:$0x2] =	stream.indirect_vreg.gather [hbm4b:s5+s2], $0x80, v4, vm0, $0xb8;
	[tilespmem:$0x14100] =	vst v63  }
0x72: {  	s29 =	simm.s32 $0xF900  }
0x73: {  	[tilespmem:s29], [sflag:$0x2] =	stream.indirect_vreg.gather [hbm4b:s6+s2], $0x80, v4, vm0, $0xb8;
	[tilespmem:$0x14100] =	vst v63  }
0x74: {  	s29 =	simm.s32 $0x10100  }
0x75: {  	[tilespmem:s29], [sflag:$0x2] =	stream.indirect_vreg.gather [hbm4b:s3+s2], $0x80, v3, vm0, $0xb8;
	[tilespmem:$0x14100] =	vst v63  }
0x76: {  	s29 =	simm.s32 $0x10900  }
0x77: {  	[tilespmem:s29], [sflag:$0x2] =	stream.indirect_vreg.gather [hbm4b:s4+s2], $0x80, v3, vm0, $0xb8;
	[tilespmem:$0x14100] =	vst v63  }
0x78: {  	s29 =	simm.s32 $0x11100  }
0x79: {  	[tilespmem:s29], [sflag:$0x2] =	stream.indirect_vreg.gather [hbm4b:s5+s2], $0x80, v3, vm0, $0xb8;
	[tilespmem:$0x14100] =	vst v63  }
0x7a: {  	s29 =	simm.s32 $0x11900  }
0x7b: {  	[tilespmem:s29], [sflag:$0x2] =	stream.indirect_vreg.gather [hbm4b:s6+s2], $0x80, v3, vm0, $0xb8;
	[tilespmem:$0x14100] =	vst v63  }
0x7c: {  	v3 =	vld.msk [tilespmem:$0x48], $0xff;
	_ =	sdelay $0x4  }
0x7d: {  	v57 =	vshll.u32 v3, $0x3  }
0x7e: {  	v3 =	vand.u32 $0x7, v3;
	v4 =	vand.u32 $0xFFFFFFC0, v57  }
0x7f: {  	v3 =	vor.u32 v3, v4  }
0x80: {  	v3 =	vperm.xlane v3, v0;
	_ =	sdelay $0x1  }
0x81: {  	v3 =	vadd.s32 v1, v3;
	_ =	sdelay $0x3  }
0x82: {  	s29 =	simm.s32 $0x12100  }
0x83: {  	[tilespmem:s29], [sflag:$0x2] =	stream.indirect_vreg.gather [hbm4b:s3+s2], $0x80, v3, vm0, $0xb8;
	[tilespmem:$0x14100] =	vst v63  }
0x84: {  	s29 =	simm.s32 $0x12900  }
0x85: {  	[tilespmem:s29], [sflag:$0x2] =	stream.indirect_vreg.gather [hbm4b:s4+s2], $0x80, v3, vm0, $0xb8;
	[tilespmem:$0x14100] =	vst v63  }
0x86: {  	s29 =	simm.s32 $0x13100  }
0x87: {  	[tilespmem:s29], [sflag:$0x2] =	stream.indirect_vreg.gather [hbm4b:s5+s2], $0x80, v3, vm0, $0xb8;
	[tilespmem:$0x14100] =	vst v63  }
0x88: {  	s29 =	simm.s32 $0x13900  }
0x89: {  	[tilespmem:s29], [sflag:$0x2] =	stream.indirect_vreg.gather [hbm4b:s6+s2], $0x80, v3, vm0, $0xb8;
	[tilespmem:$0x14100] =	vst v63  }
0x8a: {  	_ =	swait.ge [sflag:s9], $0xA000  }
0x8b: {  	[sflag:s9] =	ssyncset.done $0x0  }
0x8c: {  	s29 =	rddreg [dreg:$0x4];
	[sflag:s9] =	ssyncadd.s32 $0xFFFF6000  }
0x8d: {  	[hbm4b:s29+s2] =	stream.linear.scatter [tilespmem:s30], [sflag:$0x3], $0xA000, $0x38;
	[tilespmem:$0x14100] =	vst v63  }
0x8e: {  	_ =	swait.ge [sflag:s8], $0xA000  }
0x8f: {  	[sflag:s8] =	ssyncset.done $0x0  }
0x90: {  	[sflag:s8] =	ssyncadd.s32 $0xFFFF6000  }
0x91: {  	v3 =	vld [tilespmem:$0x50];
	_ =	sdelay $0x4  }
0x92: {  	v58 =	vshll.u32 v3, $0x3  }
0x93: {  	v3 =	vand.u32 $0x7, v3;
	v4 =	vand.u32 $0xFFFFFFC0, v58  }
0x94: {  	v3 =	vor.u32 v3, v4  }
0x95: {  	v4 =	vperm.xlane v3, v0;
	_ =	sdelay $0x1  }
0x96: {  	v4 =	vadd.s32 v1, v4;
	_ =	sdelay $0x4  }
0x97: {  	[tilespmem:s30], [sflag:$0x1] =	stream.indirect_vreg.gather [hbm4b:s3+s2], $0x80, v4, vm0, $0xb8;
	[tilespmem:$0x14100] =	vst v63  }
0x98: {  	v3 =	vperm.xlane v3, v2  }
0x99: {  	[tilespmem:s31], [sflag:$0x1] =	stream.indirect_vreg.gather [hbm4b:s4+s2], $0x80, v4, vm0, $0xb8;
	[tilespmem:$0x14100] =	vst v63  }
0x9a: {  	v3 =	vadd.s32 v1, v3  }
0x9b: {  	[tilespmem:s1], [sflag:$0x1] =	stream.indirect_vreg.gather [hbm4b:s5+s2], $0x80, v4, vm0, $0xb8;
	[tilespmem:$0x14100] =	vst v63  }
0x9c: {  	_ = 	snop  }
0x9d: {  	[tilespmem:s0], [sflag:$0x1] =	stream.indirect_vreg.gather [hbm4b:s6+s2], $0x80, v4, vm0, $0xb8;
	[tilespmem:$0x14100] =	vst v63  }
0x9e: {  	_ = 	snop  }
0x9f: {  	[tilespmem:s10], [sflag:$0x1] =	stream.indirect_vreg.gather [hbm4b:s3+s2], $0x80, v3, vm0, $0xb8;
	[tilespmem:$0x14100] =	vst v63  }
0xa0: {  	_ = 	snop  }
0xa1: {  	[tilespmem:s11], [sflag:$0x1] =	stream.indirect_vreg.gather [hbm4b:s4+s2], $0x80, v3, vm0, $0xb8;
	[tilespmem:$0x14100] =	vst v63  }
0xa2: {  	_ = 	snop  }
0xa3: {  	[tilespmem:s12], [sflag:$0x1] =	stream.indirect_vreg.gather [hbm4b:s5+s2], $0x80, v3, vm0, $0xb8;
	[tilespmem:$0x14100] =	vst v63  }
0xa4: {  	_ = 	snop  }
0xa5: {  	[tilespmem:s13], [sflag:$0x1] =	stream.indirect_vreg.gather [hbm4b:s6+s2], $0x80, v3, vm0, $0xb8;
	[tilespmem:$0x14100] =	vst v63  }
0xa6: {  	v3 =	vld [tilespmem:$0x60];
	_ =	sdelay $0x4  }
0xa7: {  	v59 =	vshll.u32 v3, $0x3  }
0xa8: {  	v3 =	vand.u32 $0x7, v3;
	v4 =	vand.u32 $0xFFFFFFC0, v59  }
0xa9: {  	v3 =	vor.u32 v3, v4  }
0xaa: {  	v4 =	vperm.xlane v3, v0;
	_ =	sdelay $0x1  }
0xab: {  	v4 =	vadd.s32 v1, v4;
	_ =	sdelay $0x4  }
0xac: {  	[tilespmem:s14], [sflag:$0x1] =	stream.indirect_vreg.gather [hbm4b:s3+s2], $0x80, v4, vm0, $0xb8;
	[tilespmem:$0x14100] =	vst v63  }
0xad: {  	v3 =	vperm.xlane v3, v2  }
0xae: {  	[tilespmem:s15], [sflag:$0x1] =	stream.indirect_vreg.gather [hbm4b:s4+s2], $0x80, v4, vm0, $0xb8;
	[tilespmem:$0x14100] =	vst v63  }
0xaf: {  	v3 =	vadd.s32 v1, v3  }
0xb0: {  	[tilespmem:s16], [sflag:$0x1] =	stream.indirect_vreg.gather [hbm4b:s5+s2], $0x80, v4, vm0, $0xb8;
	[tilespmem:$0x14100] =	vst v63  }
0xb1: {  	_ = 	snop  }
0xb2: {  	[tilespmem:s17], [sflag:$0x1] =	stream.indirect_vreg.gather [hbm4b:s6+s2], $0x80, v4, vm0, $0xb8;
	[tilespmem:$0x14100] =	vst v63  }
0xb3: {  	_ = 	snop  }
0xb4: {  	[tilespmem:s18], [sflag:$0x1] =	stream.indirect_vreg.gather [hbm4b:s3+s2], $0x80, v3, vm0, $0xb8;
	[tilespmem:$0x14100] =	vst v63  }
0xb5: {  	_ = 	snop  }
0xb6: {  	[tilespmem:s19], [sflag:$0x1] =	stream.indirect_vreg.gather [hbm4b:s4+s2], $0x80, v3, vm0, $0xb8;
	[tilespmem:$0x14100] =	vst v63  }
0xb7: {  	_ = 	snop  }
0xb8: {  	[tilespmem:s20], [sflag:$0x1] =	stream.indirect_vreg.gather [hbm4b:s5+s2], $0x80, v3, vm0, $0xb8;
	[tilespmem:$0x14100] =	vst v63  }
0xb9: {  	_ = 	snop  }
0xba: {  	[tilespmem:s21], [sflag:$0x1] =	stream.indirect_vreg.gather [hbm4b:s6+s2], $0x80, v3, vm0, $0xb8;
	[tilespmem:$0x14100] =	vst v63  }
0xbb: {  	v3 =	vld.msk [tilespmem:$0x70], $0xff;
	_ =	sdelay $0x4  }
0xbc: {  	v60 =	vshll.u32 v3, $0x3  }
0xbd: {  	v3 =	vand.u32 $0x7, v3;
	v4 =	vand.u32 $0xFFFFFFC0, v60  }
0xbe: {  	v3 =	vor.u32 v3, v4  }
0xbf: {  	v3 =	vperm.xlane v3, v0;
	_ =	sdelay $0x1  }
0xc0: {  	v3 =	vadd.s32 v1, v3;
	_ =	sdelay $0x4  }
0xc1: {  	[tilespmem:s22], [sflag:$0x1] =	stream.indirect_vreg.gather [hbm4b:s3+s2], $0x80, v3, vm0, $0xb8;
	[tilespmem:$0x14100] =	vst v63  }
0xc2: {  	_ = 	snop  }
0xc3: {  	[tilespmem:s23], [sflag:$0x1] =	stream.indirect_vreg.gather [hbm4b:s4+s2], $0x80, v3, vm0, $0xb8;
	[tilespmem:$0x14100] =	vst v63  }
0xc4: {  	_ = 	snop  }
0xc5: {  	[tilespmem:s24], [sflag:$0x1] =	stream.indirect_vreg.gather [hbm4b:s5+s2], $0x80, v3, vm0, $0xb8;
	[tilespmem:$0x14100] =	vst v63  }
0xc6: {  	_ = 	snop  }
0xc7: {  	[tilespmem:s25], [sflag:$0x1] =	stream.indirect_vreg.gather [hbm4b:s6+s2], $0x80, v3, vm0, $0xb8;
	[tilespmem:$0x14100] =	vst v63  }
0xc8: {  	_ =	swait.ge [sflag:s28], $0xA000  }
0xc9: {  	[sflag:s28] =	ssyncset.done $0x0  }
0xca: {  	s0 =	rddreg [dreg:$0x5];
	[sflag:s28] =	ssyncadd.s32 $0xFFFF6000  }
0xcb: {  	[hbm4b:s0+s2] =	stream.linear.scatter [tilespmem:s26], [sflag:$0x3], $0xA000, $0x38;
	[tilespmem:$0x14100] =	vst v63  }
0xcc: {  	_ =	swait.ge [sflag:s8], $0xA000  }
0xcd: {  	[sflag:s8] =	ssyncset.done $0x0  }
0xce: {  	[sflag:s8] =	ssyncadd.s32 $0xFFFF6000  }
0xcf: {  	v3 =	vld [tilespmem:$0x78];
	_ =	sdelay $0x4  }
0xd0: {  	v61 =	vshll.u32 v3, $0x3  }
0xd1: {  	v3 =	vand.u32 $0x7, v3;
	v4 =	vand.u32 $0xFFFFFFC0, v61  }
0xd2: {  	v3 =	vor.u32 v3, v4  }
0xd3: {  	v4 =	vperm.xlane v3, v0;
	_ =	sdelay $0x1  }
0xd4: {  	v4 =	vadd.s32 v1, v4;
	_ =	sdelay $0x4  }
0xd5: {  	[tilespmem:s26], [sflag:$0x2] =	stream.indirect_vreg.gather [hbm4b:s3+s2], $0x80, v4, vm0, $0xb8;
	[tilespmem:$0x14100] =	vst v63  }
0xd6: {  	s29 =	simm.s32 $0xA900;
	v3 =	vperm.xlane v3, v2  }
0xd7: {  	[tilespmem:s29], [sflag:$0x2] =	stream.indirect_vreg.gather [hbm4b:s4+s2], $0x80, v4, vm0, $0xb8;
	[tilespmem:$0x14100] =	vst v63  }
0xd8: {  	v3 =	vadd.s32 v1, v3;
	s29 =	simm.s32 $0xB100  }
0xd9: {  	[tilespmem:s29], [sflag:$0x2] =	stream.indirect_vreg.gather [hbm4b:s5+s2], $0x80, v4, vm0, $0xb8;
	[tilespmem:$0x14100] =	vst v63  }
0xda: {  	s29 =	simm.s32 $0xB900  }
0xdb: {  	[tilespmem:s29], [sflag:$0x2] =	stream.indirect_vreg.gather [hbm4b:s6+s2], $0x80, v4, vm0, $0xb8;
	[tilespmem:$0x14100] =	vst v63  }
0xdc: {  	s29 =	simm.s32 $0xC100  }
0xdd: {  	[tilespmem:s29], [sflag:$0x2] =	stream.indirect_vreg.gather [hbm4b:s3+s2], $0x80, v3, vm0, $0xb8;
	[tilespmem:$0x14100] =	vst v63  }
0xde: {  	s29 =	simm.s32 $0xC900  }
0xdf: {  	[tilespmem:s29], [sflag:$0x2] =	stream.indirect_vreg.gather [hbm4b:s4+s2], $0x80, v3, vm0, $0xb8;
	[tilespmem:$0x14100] =	vst v63  }
0xe0: {  	s29 =	simm.s32 $0xD100  }
0xe1: {  	[tilespmem:s29], [sflag:$0x2] =	stream.indirect_vreg.gather [hbm4b:s5+s2], $0x80, v3, vm0, $0xb8;
	[tilespmem:$0x14100] =	vst v63  }
0xe2: {  	s29 =	simm.s32 $0xD900  }
0xe3: {  	[tilespmem:s29], [sflag:$0x2] =	stream.indirect_vreg.gather [hbm4b:s6+s2], $0x80, v3, vm0, $0xb8;
	[tilespmem:$0x14100] =	vst v63  }
0xe4: {  	v3 =	vld [tilespmem:$0x88];
	_ =	sdelay $0x4  }
0xe5: {  	v62 =	vshll.u32 v3, $0x3  }
0xe6: {  	v3 =	vand.u32 $0x7, v3;
	v4 =	vand.u32 $0xFFFFFFC0, v62  }
0xe7: {  	v3 =	vor.u32 v3, v4  }
0xe8: {  	v4 =	vperm.xlane v3, v0;
	_ =	sdelay $0x1  }
0xe9: {  	v4 =	vadd.s32 v1, v4;
	_ =	sdelay $0x3  }
0xea: {  	s29 =	simm.s32 $0xE100  }
0xeb: {  	[tilespmem:s29], [sflag:$0x2] =	stream.indirect_vreg.gather [hbm4b:s3+s2], $0x80, v4, vm0, $0xb8;
	[tilespmem:$0x14100] =	vst v63  }
0xec: {  	v3 =	vperm.xlane v3, v2;
	s29 =	simm.s32 $0xE900  }
0xed: {  	[tilespmem:s29], [sflag:$0x2] =	stream.indirect_vreg.gather [hbm4b:s4+s2], $0x80, v4, vm0, $0xb8;
	[tilespmem:$0x14100] =	vst v63  }
0xee: {  	v3 =	vadd.s32 v1, v3;
	s29 =	simm.s32 $0xF100  }
0xef: {  	[tilespmem:s29], [sflag:$0x2] =	stream.indirect_vreg.gather [hbm4b:s5+s2], $0x80, v4, vm0, $0xb8;
	[tilespmem:$0x14100] =	vst v63  }
0xf0: {  	s29 =	simm.s32 $0xF900  }
0xf1: {  	[tilespmem:s29], [sflag:$0x2] =	stream.indirect_vreg.gather [hbm4b:s6+s2], $0x80, v4, vm0, $0xb8;
	[tilespmem:$0x14100] =	vst v63  }
0xf2: {  	s29 =	simm.s32 $0x10100  }
0xf3: {  	[tilespmem:s29], [sflag:$0x2] =	stream.indirect_vreg.gather [hbm4b:s3+s2], $0x80, v3, vm0, $0xb8;
	[tilespmem:$0x14100] =	vst v63  }
0xf4: {  	s29 =	simm.s32 $0x10900  }
0xf5: {  	[tilespmem:s29], [sflag:$0x2] =	stream.indirect_vreg.gather [hbm4b:s4+s2], $0x80, v3, vm0, $0xb8;
	[tilespmem:$0x14100] =	vst v63  }
0xf6: {  	s29 =	simm.s32 $0x11100  }
0xf7: {  	[tilespmem:s29], [sflag:$0x2] =	stream.indirect_vreg.gather [hbm4b:s5+s2], $0x80, v3, vm0, $0xb8;
	[tilespmem:$0x14100] =	vst v63  }
0xf8: {  	s29 =	simm.s32 $0x11900  }
0xf9: {  	[tilespmem:s29], [sflag:$0x2] =	stream.indirect_vreg.gather [hbm4b:s6+s2], $0x80, v3, vm0, $0xb8;
	[tilespmem:$0x14100] =	vst v63  }
0xfa: {  	v3 =	vld.msk [tilespmem:$0x98], $0xff;
	_ =	sdelay $0x4  }
0xfb: {  	v63 =	vshll.u32 v3, $0x3  }
0xfc: {  	v3 =	vand.u32 $0x7, v3;
	v4 =	vand.u32 $0xFFFFFFC0, v63  }
0xfd: {  	v3 =	vor.u32 v3, v4  }
0xfe: {  	v3 =	vperm.xlane v3, v0;
	_ =	sdelay $0x1  }
0xff: {  	v3 =	vadd.s32 v1, v3;
	_ =	sdelay $0x3  }
0x100: {  	s29 =	simm.s32 $0x12100  }
0x101: {  	[tilespmem:s29], [sflag:$0x2] =	stream.indirect_vreg.gather [hbm4b:s3+s2], $0x80, v3, vm0, $0xb8;
	[tilespmem:$0x14100] =	vst v63  }
0x102: {  	s29 =	simm.s32 $0x12900  }
0x103: {  	[tilespmem:s29], [sflag:$0x2] =	stream.indirect_vreg.gather [hbm4b:s4+s2], $0x80, v3, vm0, $0xb8;
	[tilespmem:$0x14100] =	vst v63  }
0x104: {  	s29 =	simm.s32 $0x13100  }
0x105: {  	[tilespmem:s29], [sflag:$0x2] =	stream.indirect_vreg.gather [hbm4b:s5+s2], $0x80, v3, vm0, $0xb8;
	[tilespmem:$0x14100] =	vst v63  }
0x106: {  	s29 =	simm.s32 $0x13900  }
0x107: {  	[tilespmem:s29], [sflag:$0x2] =	stream.indirect_vreg.gather [hbm4b:s6+s2], $0x80, v3, vm0, $0xb8;
	[tilespmem:$0x14100] =	vst v63  }
0x108: {  	_ =	swait.ge [sflag:s9], $0xA000  }
0x109: {  	[sflag:s9] =	ssyncset.done $0x0  }
0x10a: {  	s0 =	rddreg [dreg:$0x6];
	[sflag:s9] =	ssyncadd.s32 $0xFFFF6000  }
0x10b: {  	[hbm4b:s0+s2] =	stream.linear.scatter [tilespmem:s30], [sflag:$0x3], $0xA000, $0x38;
	[tilespmem:$0x14100] =	vst v63  }
0x10c: {  	_ =	swait.ge [sflag:s8], $0xA000  }
0x10d: {  	[sflag:s8] =	ssyncset.done $0x0  }
0x10e: {  	[sflag:s8] =	ssyncadd.s32 $0xFFFF6000  }
0x10f: {  	_ =	swait.ge [sflag:s28], $0xA000  }
0x110: {  	p0 =	sne.s32 s7, $0x1;
	[sflag:s28] =	ssyncset.done $0x0  }
.Ltmp0:
0x111: {  	s0 =	rddreg [dreg:$0x7];
	[sflag:s28] =	ssyncadd.s32 $0xFFFF6000;
	(pc) =	sbr.rel @p0 .LBB2_1-.Ltmp0, $4  }
0x112: {  	[hbm4b:s0+s2] =	stream.linear.scatter [tilespmem:s26], [sflag:$0x3], $0xA000, $0x38;
	[tilespmem:$0x14100] =	vst v63  }
0x113: {  	_ =	swait.ge [sflag:s8], $0xA000  }
0x114: {  	[sflag:s8] =	ssyncset.done $0x0  }
0x115: {  	s7 =	sadd.s32 $0xFFFFFFFF, s7;
	[sflag:s8] =	ssyncadd.s32 $0xFFFF6000  }
0x116: {  	_ =	sfence.sel $0x180000  }
0x117: {  	[bflag:$0x0] =	sbarrier.arrive $0xFFFF  }
0x118: {  	_ =	strace $0x90000047  }
0x119: {  	s0 =	stileid.u32;
	[bflag:$0x2] =	sbarrier.arrive $0xFFFF  }
0x11a: {  	p0 =	sne.s32 s0, $0x0;
	s0 =	rddreg [dreg:$0x2]  }
0x11b: {  	s0 =	sadd.s32 @!p0 $0x100000, s0  }
0x11c: {  	[sflag:s0] =	ssyncadd.tile.s32 @!p0 $0x1;
	_ =	shalt  }
.Lfunc_end2:
_tile_overlayer_lowered:
.L_overlay_start_2:
0x11d: {  	(tag) =	ssettag $0x2  }
0x11e: {  	s0 =	rddreg [dreg:$0x0];
	s2 =	stileid.u32  }
0x11f: {  	s1 =	rddreg [dreg:$0x1];
	p0 =	sne.s32 s2, $0x0  }
0x120: {  	s3 =	rddreg [dreg:$0x2];
	[bflag:$0x3] =	sbarrier.arrive $0xFFFF;
	s2 =	simm.s32 @!p0 $0x1C03  }
0x121: {  	[timem:s3], [sflag:s2] =	dma.local @!p0 [hbm:s0], s1  }
0x122: {  	s0 =	simm.s32 @!p0 $0x3  }
0x123: {  	_ =	swait.ge @!p0 [sflag:s0], s1  }
0x124: {  	s1 =	ssub.s32 @!p0 $0x0, s1;
	[sflag:s0] =	ssyncset.done @!p0 $0x0  }
0x125: {  	[sflag:s0] =	ssyncadd.s32 @!p0 s1  }
0x126: {  	[bflag:$0x3] =	sbarrier.arrive $0xFFFF  }
0x127: {  	_ =	shalt  }

</sc_bundles>
